<compile_context>
chip_gen: v7x
topology: tpu7x:2x2x1
jax: 0.10.2.dev20260603
libtpu: 0.0.44.dev20260713+nightly
codegen_flags: <defaults>
</compile_context>

<pallas_src>
import functools

import jax
import jax.numpy as jnp
from jax import lax
from jax.experimental import pallas as pl
from jax.experimental.pallas import tpu as pltpu
from jax.experimental.pallas import tpu_sc as plsc

N = 10000
IN_DIM = 256
HID = 32
LATENT = 64

NC = 2
NS = 16
NW = NC * NS
K = 128
GATHER_W = 128
DEG_W = 128
N_PAD = 10112
ROWS_PER_TILE = N_PAD // NS
DUMMY = N

_ROW_BLK = 2000
_GRID = N // _ROW_BLK

_sc_mesh = plsc.VectorSubcoreMesh(
    core_axis_name="c", subcore_axis_name="s", num_cores=NC, num_subcores=NS
)


def _matmul_body(x_ref, w_ref, h_ref):
    h_ref[...] = jnp.dot(x_ref[...], w_ref[...],
                         preferred_element_type=jnp.float32)


def _tc_matmul(x, w):
    return pl.pallas_call(
        _matmul_body,
        grid=(_GRID,),
        in_specs=[pl.BlockSpec((_ROW_BLK, IN_DIM), lambda i: (i, 0)),
                  pl.BlockSpec((IN_DIM, HID), lambda i: (0, 0))],
        out_specs=pl.BlockSpec((_ROW_BLK, HID), lambda i: (i, 0)),
        out_shape=jax.ShapeDtypeStruct((N, HID), jnp.float32),
    )(x, w)


def _sc_degree(dst3, ones_rows, zeros_init):
    chunks = dst3.shape[1]

    @functools.partial(
        pl.kernel,
        out_type=jax.ShapeDtypeStruct((NC, N_PAD, DEG_W), jnp.float32),
        mesh=_sc_mesh,
        scratch_types=[
            pltpu.VMEM((chunks, K), jnp.int32),
            pltpu.VMEM((K, DEG_W), jnp.float32),
            pltpu.VMEM_SHARED((N_PAD, DEG_W), jnp.float32),
        ],
    )
    def k(dst_hbm, ones_hbm, zero_hbm, out_hbm, dst_v, ones_v, deg_sh):
        cid = lax.axis_index("c")
        sid = lax.axis_index("s")
        tid = cid * NS + sid
        pltpu.sync_copy(dst_hbm.at[tid], dst_v)
        pltpu.sync_copy(ones_hbm, ones_v)
        pltpu.sync_copy(zero_hbm, deg_sh.at[pl.ds(sid * ROWS_PER_TILE,
                                                  ROWS_PER_TILE)])
        plsc.subcore_barrier()

        @pl.loop(0, chunks)
        def _(j):
            pltpu.sync_copy(ones_v, deg_sh.at[dst_v.at[j]], add=True)

        plsc.subcore_barrier()
        pltpu.sync_copy(
            deg_sh.at[pl.ds(sid * ROWS_PER_TILE, ROWS_PER_TILE)],
            out_hbm.at[cid, pl.ds(sid * ROWS_PER_TILE, ROWS_PER_TILE)],
        )

    return k(dst3, ones_rows, zeros_init)


def _scale_body(h_ref, deg_ref, hp_ref):
    deg = deg_ref[0, :, 0:1] + deg_ref[1, :, 0:1] + 1.0
    scaled = h_ref[...] * lax.rsqrt(deg)
    hp_ref[...] = jnp.concatenate(
        [scaled, jnp.zeros((_ROW_BLK, GATHER_W - HID), jnp.float32)], axis=1)


def _tc_scale(h, degp):
    return pl.pallas_call(
        _scale_body,
        grid=(_GRID,),
        in_specs=[pl.BlockSpec((_ROW_BLK, HID), lambda i: (i, 0)),
                  pl.BlockSpec((NC, _ROW_BLK, DEG_W), lambda i: (0, i, 0))],
        out_specs=pl.BlockSpec((_ROW_BLK, GATHER_W), lambda i: (i, 0)),
        out_shape=jax.ShapeDtypeStruct((N_PAD, GATHER_W), jnp.float32),
    )(h, degp)


def _sc_scatter(src3, dst3, hp_pad, zeros_init):
    chunks = src3.shape[1]

    NBUF = 2

    @functools.partial(
        pl.kernel,
        out_type=jax.ShapeDtypeStruct((NC, N_PAD, GATHER_W), jnp.float32),
        mesh=_sc_mesh,
        scratch_types=[
            pltpu.VMEM((chunks, K), jnp.int32),
            pltpu.VMEM((chunks, K), jnp.int32),
        ] + [pltpu.VMEM((K, GATHER_W), jnp.float32) for _ in range(NBUF)]
          + [pltpu.VMEM_SHARED((N_PAD, GATHER_W), jnp.float32)]
          + [pltpu.SemaphoreType.DMA for _ in range(NBUF)],
    )
    def k(src_hbm, dst_hbm, hp_hbm, zero_hbm, out_hbm,
          src_v, dst_v, *rest):
        rows = rest[:NBUF]
        acc_sh = rest[NBUF]
        sems = rest[NBUF + 1:]
        cid = lax.axis_index("c")
        sid = lax.axis_index("s")
        tid = cid * NS + sid
        pltpu.sync_copy(src_hbm.at[tid], src_v)
        pltpu.sync_copy(dst_hbm.at[tid], dst_v)
        pltpu.sync_copy(zero_hbm, acc_sh.at[pl.ds(sid * ROWS_PER_TILE,
                                                  ROWS_PER_TILE)])
        plsc.subcore_barrier()

        for p in range(NBUF - 1):
            pltpu.async_copy(hp_hbm.at[src_v.at[p]], rows[p], sems[p])

        @pl.loop(0, chunks, step=NBUF)
        def _(j):
            for b in range(NBUF):
                jb = j + b
                nxt = (b + NBUF - 1) % NBUF

                @pl.when(jb + NBUF - 1 < chunks)
                def _():
                    pltpu.async_copy(hp_hbm.at[src_v.at[jb + NBUF - 1]],
                                     rows[nxt], sems[nxt])

                pltpu.make_async_copy(hp_hbm.at[src_v.at[jb]],
                                      rows[b], sems[b]).wait()
                pltpu.sync_copy(rows[b], acc_sh.at[dst_v.at[jb]], add=True)

        plsc.subcore_barrier()
        pltpu.sync_copy(
            acc_sh.at[pl.ds(sid * ROWS_PER_TILE, ROWS_PER_TILE)],
            out_hbm.at[cid, pl.ds(sid * ROWS_PER_TILE, ROWS_PER_TILE)],
        )

    return k(src3, dst3, hp_pad, zeros_init)


def _final_body(h_ref, deg_ref, acc_ref, bg_ref,
                wm_ref, bm_ref, wl_ref, bl_ref, mu_ref, lv_ref, sacc):
    i = pl.program_id(0)
    dis = lax.rsqrt(deg_ref[0, :, 0:1] + deg_ref[1, :, 0:1] + 1.0)
    pre = (dis * (acc_ref[0, :, :HID] + acc_ref[1, :, :HID])
           + dis * dis * h_ref[...] + bg_ref[...])
    psum = jnp.sum(jnp.maximum(pre, 0.0), axis=0, keepdims=True)

    @pl.when(i == 0)
    def _():
        sacc[...] = psum

    @pl.when(i > 0)
    def _():
        sacc[...] += psum

    @pl.when(i == _GRID - 1)
    def _():
        pooled = sacc[...] * (1.0 / N)
        mu_ref[...] = jnp.dot(pooled, wm_ref[...],
                              preferred_element_type=jnp.float32) + bm_ref[...]
        lv_ref[...] = jnp.dot(pooled, wl_ref[...],
                              preferred_element_type=jnp.float32) + bl_ref[...]


def _tc_final(h, degp, accp, bg, wm, bm, wl, bl):
    return pl.pallas_call(
        _final_body,
        grid=(_GRID,),
        in_specs=[pl.BlockSpec((_ROW_BLK, HID), lambda i: (i, 0)),
                  pl.BlockSpec((NC, _ROW_BLK, DEG_W), lambda i: (0, i, 0)),
                  pl.BlockSpec((NC, _ROW_BLK, GATHER_W), lambda i: (0, i, 0)),
                  pl.BlockSpec((1, HID), lambda i: (0, 0)),
                  pl.BlockSpec((HID, LATENT), lambda i: (0, 0)),
                  pl.BlockSpec((1, LATENT), lambda i: (0, 0)),
                  pl.BlockSpec((HID, LATENT), lambda i: (0, 0)),
                  pl.BlockSpec((1, LATENT), lambda i: (0, 0))],
        out_specs=[pl.BlockSpec((1, LATENT), lambda i: (0, 0)),
                   pl.BlockSpec((1, LATENT), lambda i: (0, 0))],
        out_shape=[jax.ShapeDtypeStruct((1, LATENT), jnp.float32),
                   jax.ShapeDtypeStruct((1, LATENT), jnp.float32)],
        scratch_shapes=[pltpu.VMEM((1, HID), jnp.float32)],
    )(h, degp, accp, bg, wm, bm, wl, bl)


def kernel(x, edge_index, W_gcn, b_gcn, W_mu, b_mu, W_lv, b_lv):
    e = edge_index.shape[1]
    e1 = ((e + NW - 1) // NW) * NW
    pw = e1 // NW
    chunks = (pw + K - 1) // K
    cols_pad = chunks * K - pw

    tail1 = jnp.full((e1 - e,), DUMMY, jnp.int32)
    src2 = jnp.concatenate([edge_index[0], tail1]).reshape(NW, pw)
    dst2 = jnp.concatenate([edge_index[1], tail1]).reshape(NW, pw)
    dummies = (DUMMY + (jnp.arange(NW * cols_pad, dtype=jnp.int32)
                        % (N_PAD - N))).reshape(NW, cols_pad)
    src3 = jnp.concatenate([src2, dummies], axis=1).reshape(NW, chunks, K)
    dst3 = jnp.concatenate([dst2, dummies], axis=1).reshape(NW, chunks, K)

    ones_rows = jnp.ones((K, DEG_W), jnp.float32)
    zerosd = jnp.zeros((ROWS_PER_TILE, DEG_W), jnp.float32)
    zerosw = jnp.zeros((ROWS_PER_TILE, GATHER_W), jnp.float32)

    h = _tc_matmul(x, W_gcn)
    degp = _sc_degree(dst3, ones_rows, zerosd)
    hp_pad = _tc_scale(h, degp)
    accp = _sc_scatter(src3, dst3, hp_pad, zerosw)
    mu2, lv2 = _tc_final(h, degp, accp,
                         b_gcn.reshape(1, HID), W_mu, b_mu.reshape(1, LATENT),
                         W_lv, b_lv.reshape(1, LATENT))
    return mu2.reshape(LATENT), lv2.reshape(LATENT)

# --- scband reference (transcript-rebuilt; emitter-appended) ---
"""Pipeline reference for scband-encoder-10995116278232 (READ-ONLY COPY).

The authoritative reference and input builder live on the scoring server;
editing this copy changes nothing except your own understanding.
"""

import jax, jax.numpy as jnp
import numpy as np

N = 10000
IN_DIM = 256
HID = 32
LATENT = 64
E = 160000


def setup_inputs(seed: int = 0) -> dict:
    key = jax.random.key(seed)
    ks = jax.random.split(key, 8)
    x = jax.random.normal(ks[0], (N, IN_DIM), dtype=jnp.float32)
    edge_index = jax.random.randint(ks[1], (2, E), 0, N, dtype=jnp.int32)
    W_gcn = jax.random.normal(ks[2], (IN_DIM, HID), dtype=jnp.float32) * (1.0 / np.sqrt(IN_DIM))
    b_gcn = jnp.zeros((HID,), dtype=jnp.float32)
    W_mu = jax.random.normal(ks[3], (HID, LATENT), dtype=jnp.float32) * (1.0 / np.sqrt(HID))
    b_mu = jnp.zeros((LATENT,), dtype=jnp.float32)
    W_lv = jax.random.normal(ks[4], (HID, LATENT), dtype=jnp.float32) * (1.0 / np.sqrt(HID))
    b_lv = jnp.zeros((LATENT,), dtype=jnp.float32)
    return {"x": x, "edge_index": edge_index, "W_gcn": W_gcn, "b_gcn": b_gcn,
            "W_mu": W_mu, "b_mu": b_mu, "W_lv": W_lv, "b_lv": b_lv}


def _gcn_conv(x, edge_index, W, b):
    # PyG GCNConv semantics: add self-loops, symmetric degree normalization,
    # linear transform, scatter-add aggregation by destination node.
    n = x.shape[0]
    loop = jnp.arange(n, dtype=edge_index.dtype)
    src = jnp.concatenate([edge_index[0], loop])
    dst = jnp.concatenate([edge_index[1], loop])
    deg = jnp.zeros((n,), dtype=x.dtype).at[dst].add(1.0)
    deg_inv_sqrt = jnp.where(deg > 0, 1.0 / jnp.sqrt(deg), 0.0)
    norm = deg_inv_sqrt[src] * deg_inv_sqrt[dst]
    h = x @ W
    msg = h[src] * norm[:, None]
    out = jnp.zeros((n, h.shape[1]), dtype=x.dtype).at[dst].add(msg)
    return out + b


def reference(x, edge_index, W_gcn, b_gcn, W_mu, b_mu, W_lv, b_lv):
    h = jax.nn.relu(_gcn_conv(x, edge_index, W_gcn, b_gcn))
    pooled = h.mean(axis=0)
    mu = pooled @ W_mu + b_mu
    logvar = pooled @ W_lv + b_lv
    return (mu, logvar)

if __name__ == "__main__":
    import jax
    _d = setup_inputs()
    print(jax.jit(kernel)(*tuple(_d.values())))

</pallas_src>

<mosaic_0001>
#map = affine_map<(d0, d1) -> (0, 0, 0)>
#map1 = affine_map<(d0, d1) -> (0, 0)>
module attributes {stable_mosaic.version = 14 : i64} {
  func.func @k(%arg0: i32, %arg1: i32, %arg2: memref<32x40x128xi32, #tpu.memory_space<hbm>>, %arg3: memref<128x128xf32, #tpu.memory_space<hbm>>, %arg4: memref<632x128xf32, #tpu.memory_space<hbm>>, %arg5: memref<2x10112x128xf32, #tpu.memory_space<hbm>>, %arg6: memref<40x128xi32, #tpu.memory_space<vmem>>, %arg7: memref<128x128xf32, #tpu.memory_space<vmem>>, %arg8: memref<10112x128xf32, #tpu.memory_space<vmem_shared>>) attributes {dimension_semantics = [#tpu.dimension_semantics<core_parallel>, #tpu.dimension_semantics<subcore_parallel>], iteration_bounds = array<i64: 2, 16>, scalar_prefetch = 0 : i64, scratch_operands = 3 : i64, tpu.core_type = #tpu.core_type<sc_vector_subcore>, window_params = [{transform_indices = #map}, {transform_indices = #map1}, {transform_indices = #map1}, {transform_indices = #map}]} {
    %mul3A = arith.constant 16 : i32
    %mul3A_0 = arith.muli %arg0, %mul3A : i32
    %add3A = arith.addi %mul3A_0, %arg1 : i32
    "tpu.region"() ({
      %run_scoped3A = tpu.sem_alloc : memref<!tpu.dma_semaphore, #tpu.memory_space<semaphore_mem>>
      %dma_start3A = arith.constant 0 : i32
      %dma_start3A_12 = arith.constant 0 : i32
      %dma_start3A_13 = tpu.memref_slice %arg2[%add3A, %dma_start3A, %dma_start3A_12] : memref<32x40x128xi32, #tpu.memory_space<hbm>> -> memref<1x40x128xi32, #tpu.memory_space<hbm>>
      %dma_start3A_14 = tpu.memref_squeeze %dma_start3A_13 : memref<1x40x128xi32, #tpu.memory_space<hbm>> -> memref<40x128xi32, #tpu.memory_space<hbm>>
      %dma_start3A_15 = arith.constant 0 : i32
      %dma_start3A_16 = arith.constant 0 : i32
      %dma_start3A_17 = tpu.memref_slice %arg2[%add3A, %dma_start3A_15, %dma_start3A_16] : memref<32x40x128xi32, #tpu.memory_space<hbm>> -> memref<1x40x128xi32, #tpu.memory_space<hbm>>
      %dma_start3A_18 = tpu.memref_squeeze %dma_start3A_17 : memref<1x40x128xi32, #tpu.memory_space<hbm>> -> memref<40x128xi32, #tpu.memory_space<hbm>>
      tpu.enqueue_dma source(%dma_start3A_18 : memref<40x128xi32, #tpu.memory_space<hbm>>) target(%arg6 : memref<40x128xi32, #tpu.memory_space<vmem>>) target_semaphore(%run_scoped3A : memref<!tpu.dma_semaphore, #tpu.memory_space<semaphore_mem>>)
      %dma_wait3A = arith.constant 0 : i32
      %dma_wait3A_19 = arith.constant 0 : i32
      %dma_wait3A_20 = tpu.memref_slice %arg2[%add3A, %dma_wait3A, %dma_wait3A_19] : memref<32x40x128xi32, #tpu.memory_space<hbm>> -> memref<1x40x128xi32, #tpu.memory_space<hbm>>
      %dma_wait3A_21 = tpu.memref_squeeze %dma_wait3A_20 : memref<1x40x128xi32, #tpu.memory_space<hbm>> -> memref<40x128xi32, #tpu.memory_space<hbm>>
      %dma_wait3A_22 = arith.constant 0 : i32
      %dma_wait3A_23 = arith.constant 0 : i32
      %dma_wait3A_24 = tpu.memref_slice %arg2[%add3A, %dma_wait3A_22, %dma_wait3A_23] : memref<32x40x128xi32, #tpu.memory_space<hbm>> -> memref<1x40x128xi32, #tpu.memory_space<hbm>>
      %dma_wait3A_25 = tpu.memref_squeeze %dma_wait3A_24 : memref<1x40x128xi32, #tpu.memory_space<hbm>> -> memref<40x128xi32, #tpu.memory_space<hbm>>
      tpu.wait_dma2 semaphore(%run_scoped3A : memref<!tpu.dma_semaphore, #tpu.memory_space<semaphore_mem>>) src(%dma_wait3A_25 : memref<40x128xi32, #tpu.memory_space<hbm>>) dst(%arg6 : memref<40x128xi32, #tpu.memory_space<vmem>>)
      tpu.yield
    }) : () -> ()
    "tpu.region"() ({
      %run_scoped3A = tpu.sem_alloc : memref<!tpu.dma_semaphore, #tpu.memory_space<semaphore_mem>>
      tpu.enqueue_dma source(%arg3 : memref<128x128xf32, #tpu.memory_space<hbm>>) target(%arg7 : memref<128x128xf32, #tpu.memory_space<vmem>>) target_semaphore(%run_scoped3A : memref<!tpu.dma_semaphore, #tpu.memory_space<semaphore_mem>>)
      tpu.wait_dma2 semaphore(%run_scoped3A : memref<!tpu.dma_semaphore, #tpu.memory_space<semaphore_mem>>) src(%arg3 : memref<128x128xf32, #tpu.memory_space<hbm>>) dst(%arg7 : memref<128x128xf32, #tpu.memory_space<vmem>>)
      tpu.yield
    }) : () -> ()
    %mul3A_1 = arith.constant 632 : i32
    %mul3A_2 = arith.muli %arg1, %mul3A_1 : i32
    "tpu.region"() ({
      %run_scoped3A = tpu.sem_alloc : memref<!tpu.dma_semaphore, #tpu.memory_space<semaphore_mem>>
      %dma_start3A = arith.constant 0 : i32
      %dma_start3A_12 = tpu.memref_slice %arg8[%mul3A_2, %dma_start3A] : memref<10112x128xf32, #tpu.memory_space<vmem_shared>> -> memref<632x128xf32, #tpu.memory_space<vmem_shared>>
      tpu.enqueue_dma source(%arg4 : memref<632x128xf32, #tpu.memory_space<hbm>>) target(%dma_start3A_12 : memref<632x128xf32, #tpu.memory_space<vmem_shared>>) target_semaphore(%run_scoped3A : memref<!tpu.dma_semaphore, #tpu.memory_space<semaphore_mem>>)
      %dma_wait3A = arith.constant 0 : i32
      %dma_wait3A_13 = tpu.memref_slice %arg8[%mul3A_2, %dma_wait3A] : memref<10112x128xf32, #tpu.memory_space<vmem_shared>> -> memref<632x128xf32, #tpu.memory_space<vmem_shared>>
      tpu.wait_dma2 semaphore(%run_scoped3A : memref<!tpu.dma_semaphore, #tpu.memory_space<semaphore_mem>>) src(%arg4 : memref<632x128xf32, #tpu.memory_space<hbm>>) dst(%dma_wait3A_13 : memref<632x128xf32, #tpu.memory_space<vmem_shared>>)
      tpu.yield
    }) : () -> ()
    %barrier3A = arith.constant 0 : index
    tpu.barrier barrier_id(%barrier3A)
    %scan3A = arith.constant 0 : i32
    %scan3A_3 = arith.constant 40 : i32
    %scan3A_4 = arith.addi %scan3A, %scan3A_3 : i32
    %scan3A_5 = arith.constant 1 : i32
    scf.for %scan3A_12 = %scan3A to %scan3A_4 step %scan3A_5  : i32 {
      %mul3A_13 = arith.constant 1 : i32
      %mul3A_14 = arith.muli %scan3A_12, %mul3A_13 : i32
      %add3A_15 = arith.constant 0 : i32
      %add3A_16 = arith.addi %add3A_15, %mul3A_14 : i32
      "tpu.region"() ({
        %run_scoped3A = tpu.sem_alloc : memref<!tpu.dma_semaphore, #tpu.memory_space<semaphore_mem>>
        %dma_start3A = arith.constant 0 : i32
        %dma_start3A_17 = tpu.memref_slice %arg6[%add3A_16, %dma_start3A] : memref<40x128xi32, #tpu.memory_space<vmem>> -> memref<1x128xi32, #tpu.memory_space<vmem>>
        %dma_start3A_18 = tpu.memref_squeeze %dma_start3A_17 : memref<1x128xi32, #tpu.memory_space<vmem>> -> memref<128xi32, #tpu.memory_space<vmem>>
        %dma_start3A_19 = arith.constant 0 : i32
        %dma_start3A_20 = arith.constant 0 : i32
        %dma_start3A_21 = tpu.memref_slice %arg8[%dma_start3A_19, %dma_start3A_20] : memref<10112x128xf32, #tpu.memory_space<vmem_shared>> -> memref<10112x128xf32, #tpu.memory_space<vmem_shared>>
        tpu.enqueue_indirect_dma source(%arg7 : memref<128x128xf32, #tpu.memory_space<vmem>>) target(%dma_start3A_21 : memref<10112x128xf32, #tpu.memory_space<vmem_shared>>) offsets(%dma_start3A_18 : memref<128xi32, #tpu.memory_space<vmem>>) semaphore(%run_scoped3A : memref<!tpu.dma_semaphore, #tpu.memory_space<semaphore_mem>>) {add = true}
        %dma_wait3A = arith.constant 0 : i32
        %dma_wait3A_22 = tpu.memref_slice %arg6[%add3A_16, %dma_wait3A] : memref<40x128xi32, #tpu.memory_space<vmem>> -> memref<1x128xi32, #tpu.memory_space<vmem>>
        %dma_wait3A_23 = tpu.memref_squeeze %dma_wait3A_22 : memref<1x128xi32, #tpu.memory_space<vmem>> -> memref<128xi32, #tpu.memory_space<vmem>>
        %dma_wait3A_24 = arith.constant 0 : i32
        %dma_wait3A_25 = arith.constant 0 : i32
        %dma_wait3A_26 = tpu.memref_slice %arg8[%dma_wait3A_24, %dma_wait3A_25] : memref<10112x128xf32, #tpu.memory_space<vmem_shared>> -> memref<10112x128xf32, #tpu.memory_space<vmem_shared>>
        tpu.wait_indirect_dma semaphore(%run_scoped3A : memref<!tpu.dma_semaphore, #tpu.memory_space<semaphore_mem>>) src(%arg7 : memref<128x128xf32, #tpu.memory_space<vmem>>) dst(%dma_wait3A_26 : memref<10112x128xf32, #tpu.memory_space<vmem_shared>>)
        tpu.yield
      }) : () -> ()
    }
    %scan3A_6 = arith.constant 40 : i32
    %barrier3A_7 = arith.constant 0 : index
    tpu.barrier barrier_id(%barrier3A_7)
    %mul3A_8 = arith.constant 632 : i32
    %mul3A_9 = arith.muli %arg1, %mul3A_8 : i32
    %mul3A_10 = arith.constant 632 : i32
    %mul3A_11 = arith.muli %arg1, %mul3A_10 : i32
    "tpu.region"() ({
      %run_scoped3A = tpu.sem_alloc : memref<!tpu.dma_semaphore, #tpu.memory_space<semaphore_mem>>
      %dma_start3A = arith.constant 0 : i32
      %dma_start3A_12 = tpu.memref_slice %arg5[%arg0, %mul3A_11, %dma_start3A] : memref<2x10112x128xf32, #tpu.memory_space<hbm>> -> memref<1x632x128xf32, #tpu.memory_space<hbm>>
      %dma_start3A_13 = tpu.memref_squeeze %dma_start3A_12 : memref<1x632x128xf32, #tpu.memory_space<hbm>> -> memref<632x128xf32, #tpu.memory_space<hbm>>
      %dma_start3A_14 = arith.constant 0 : i32
      %dma_start3A_15 = tpu.memref_slice %arg8[%mul3A_9, %dma_start3A_14] : memref<10112x128xf32, #tpu.memory_space<vmem_shared>> -> memref<632x128xf32, #tpu.memory_space<vmem_shared>>
      tpu.enqueue_dma source(%dma_start3A_15 : memref<632x128xf32, #tpu.memory_space<vmem_shared>>) target(%dma_start3A_13 : memref<632x128xf32, #tpu.memory_space<hbm>>) target_semaphore(%run_scoped3A : memref<!tpu.dma_semaphore, #tpu.memory_space<semaphore_mem>>)
      %dma_wait3A = arith.constant 0 : i32
      %dma_wait3A_16 = tpu.memref_slice %arg5[%arg0, %mul3A_11, %dma_wait3A] : memref<2x10112x128xf32, #tpu.memory_space<hbm>> -> memref<1x632x128xf32, #tpu.memory_space<hbm>>
      %dma_wait3A_17 = tpu.memref_squeeze %dma_wait3A_16 : memref<1x632x128xf32, #tpu.memory_space<hbm>> -> memref<632x128xf32, #tpu.memory_space<hbm>>
      %dma_wait3A_18 = arith.constant 0 : i32
      %dma_wait3A_19 = tpu.memref_slice %arg8[%mul3A_9, %dma_wait3A_18] : memref<10112x128xf32, #tpu.memory_space<vmem_shared>> -> memref<632x128xf32, #tpu.memory_space<vmem_shared>>
      tpu.wait_dma2 semaphore(%run_scoped3A : memref<!tpu.dma_semaphore, #tpu.memory_space<semaphore_mem>>) src(%dma_wait3A_19 : memref<632x128xf32, #tpu.memory_space<vmem_shared>>) dst(%dma_wait3A_17 : memref<632x128xf32, #tpu.memory_space<hbm>>)
      tpu.yield
    }) : () -> ()
    return
  }
}

#map = affine_map<(d0, d1) -> (0, 0, 0)>
#map1 = affine_map<(d0, d1) -> (0, 0)>
module attributes {stable_mosaic.version = 14 : i64} {
  func.func @k(%arg0: i32, %arg1: i32, %arg2: memref<32x40x128xi32, #tpu.memory_space<hbm>>, %arg3: memref<32x40x128xi32, #tpu.memory_space<hbm>>, %arg4: memref<10112x128xf32, #tpu.memory_space<hbm>>, %arg5: memref<632x128xf32, #tpu.memory_space<hbm>>, %arg6: memref<2x10112x128xf32, #tpu.memory_space<hbm>>, %arg7: memref<40x128xi32, #tpu.memory_space<vmem>>, %arg8: memref<40x128xi32, #tpu.memory_space<vmem>>, %arg9: memref<128x128xf32, #tpu.memory_space<vmem>>, %arg10: memref<128x128xf32, #tpu.memory_space<vmem>>, %arg11: memref<10112x128xf32, #tpu.memory_space<vmem_shared>>, %arg12: memref<!tpu.dma_semaphore, #tpu.memory_space<semaphore_mem>>, %arg13: memref<!tpu.dma_semaphore, #tpu.memory_space<semaphore_mem>>) attributes {dimension_semantics = [#tpu.dimension_semantics<core_parallel>, #tpu.dimension_semantics<subcore_parallel>], iteration_bounds = array<i64: 2, 16>, scalar_prefetch = 0 : i64, scratch_operands = 7 : i64, tpu.core_type = #tpu.core_type<sc_vector_subcore>, window_params = [{transform_indices = #map}, {transform_indices = #map}, {transform_indices = #map1}, {transform_indices = #map1}, {transform_indices = #map}]} {
    %mul3A = arith.constant 16 : i32
    %mul3A_0 = arith.muli %arg0, %mul3A : i32
    %add3A = arith.addi %mul3A_0, %arg1 : i32
    "tpu.region"() ({
      %run_scoped3A = tpu.sem_alloc : memref<!tpu.dma_semaphore, #tpu.memory_space<semaphore_mem>>
      %dma_start3A_18 = arith.constant 0 : i32
      %dma_start3A_19 = arith.constant 0 : i32
      %dma_start3A_20 = tpu.memref_slice %arg2[%add3A, %dma_start3A_18, %dma_start3A_19] : memref<32x40x128xi32, #tpu.memory_space<hbm>> -> memref<1x40x128xi32, #tpu.memory_space<hbm>>
      %dma_start3A_21 = tpu.memref_squeeze %dma_start3A_20 : memref<1x40x128xi32, #tpu.memory_space<hbm>> -> memref<40x128xi32, #tpu.memory_space<hbm>>
      %dma_start3A_22 = arith.constant 0 : i32
      %dma_start3A_23 = arith.constant 0 : i32
      %dma_start3A_24 = tpu.memref_slice %arg2[%add3A, %dma_start3A_22, %dma_start3A_23] : memref<32x40x128xi32, #tpu.memory_space<hbm>> -> memref<1x40x128xi32, #tpu.memory_space<hbm>>
      %dma_start3A_25 = tpu.memref_squeeze %dma_start3A_24 : memref<1x40x128xi32, #tpu.memory_space<hbm>> -> memref<40x128xi32, #tpu.memory_space<hbm>>
      tpu.enqueue_dma source(%dma_start3A_25 : memref<40x128xi32, #tpu.memory_space<hbm>>) target(%arg7 : memref<40x128xi32, #tpu.memory_space<vmem>>) target_semaphore(%run_scoped3A : memref<!tpu.dma_semaphore, #tpu.memory_space<semaphore_mem>>)
      %dma_wait3A = arith.constant 0 : i32
      %dma_wait3A_26 = arith.constant 0 : i32
      %dma_wait3A_27 = tpu.memref_slice %arg2[%add3A, %dma_wait3A, %dma_wait3A_26] : memref<32x40x128xi32, #tpu.memory_space<hbm>> -> memref<1x40x128xi32, #tpu.memory_space<hbm>>
      %dma_wait3A_28 = tpu.memref_squeeze %dma_wait3A_27 : memref<1x40x128xi32, #tpu.memory_space<hbm>> -> memref<40x128xi32, #tpu.memory_space<hbm>>
      %dma_wait3A_29 = arith.constant 0 : i32
      %dma_wait3A_30 = arith.constant 0 : i32
      %dma_wait3A_31 = tpu.memref_slice %arg2[%add3A, %dma_wait3A_29, %dma_wait3A_30] : memref<32x40x128xi32, #tpu.memory_space<hbm>> -> memref<1x40x128xi32, #tpu.memory_space<hbm>>
      %dma_wait3A_32 = tpu.memref_squeeze %dma_wait3A_31 : memref<1x40x128xi32, #tpu.memory_space<hbm>> -> memref<40x128xi32, #tpu.memory_space<hbm>>
      tpu.wait_dma2 semaphore(%run_scoped3A : memref<!tpu.dma_semaphore, #tpu.memory_space<semaphore_mem>>) src(%dma_wait3A_32 : memref<40x128xi32, #tpu.memory_space<hbm>>) dst(%arg7 : memref<40x128xi32, #tpu.memory_space<vmem>>)
      tpu.yield
    }) : () -> ()
    "tpu.region"() ({
      %run_scoped3A = tpu.sem_alloc : memref<!tpu.dma_semaphore, #tpu.memory_space<semaphore_mem>>
      %dma_start3A_18 = arith.constant 0 : i32
      %dma_start3A_19 = arith.constant 0 : i32
      %dma_start3A_20 = tpu.memref_slice %arg3[%add3A, %dma_start3A_18, %dma_start3A_19] : memref<32x40x128xi32, #tpu.memory_space<hbm>> -> memref<1x40x128xi32, #tpu.memory_space<hbm>>
      %dma_start3A_21 = tpu.memref_squeeze %dma_start3A_20 : memref<1x40x128xi32, #tpu.memory_space<hbm>> -> memref<40x128xi32, #tpu.memory_space<hbm>>
      %dma_start3A_22 = arith.constant 0 : i32
      %dma_start3A_23 = arith.constant 0 : i32
      %dma_start3A_24 = tpu.memref_slice %arg3[%add3A, %dma_start3A_22, %dma_start3A_23] : memref<32x40x128xi32, #tpu.memory_space<hbm>> -> memref<1x40x128xi32, #tpu.memory_space<hbm>>
      %dma_start3A_25 = tpu.memref_squeeze %dma_start3A_24 : memref<1x40x128xi32, #tpu.memory_space<hbm>> -> memref<40x128xi32, #tpu.memory_space<hbm>>
      tpu.enqueue_dma source(%dma_start3A_25 : memref<40x128xi32, #tpu.memory_space<hbm>>) target(%arg8 : memref<40x128xi32, #tpu.memory_space<vmem>>) target_semaphore(%run_scoped3A : memref<!tpu.dma_semaphore, #tpu.memory_space<semaphore_mem>>)
      %dma_wait3A = arith.constant 0 : i32
      %dma_wait3A_26 = arith.constant 0 : i32
      %dma_wait3A_27 = tpu.memref_slice %arg3[%add3A, %dma_wait3A, %dma_wait3A_26] : memref<32x40x128xi32, #tpu.memory_space<hbm>> -> memref<1x40x128xi32, #tpu.memory_space<hbm>>
      %dma_wait3A_28 = tpu.memref_squeeze %dma_wait3A_27 : memref<1x40x128xi32, #tpu.memory_space<hbm>> -> memref<40x128xi32, #tpu.memory_space<hbm>>
      %dma_wait3A_29 = arith.constant 0 : i32
      %dma_wait3A_30 = arith.constant 0 : i32
      %dma_wait3A_31 = tpu.memref_slice %arg3[%add3A, %dma_wait3A_29, %dma_wait3A_30] : memref<32x40x128xi32, #tpu.memory_space<hbm>> -> memref<1x40x128xi32, #tpu.memory_space<hbm>>
      %dma_wait3A_32 = tpu.memref_squeeze %dma_wait3A_31 : memref<1x40x128xi32, #tpu.memory_space<hbm>> -> memref<40x128xi32, #tpu.memory_space<hbm>>
      tpu.wait_dma2 semaphore(%run_scoped3A : memref<!tpu.dma_semaphore, #tpu.memory_space<semaphore_mem>>) src(%dma_wait3A_32 : memref<40x128xi32, #tpu.memory_space<hbm>>) dst(%arg8 : memref<40x128xi32, #tpu.memory_space<vmem>>)
      tpu.yield
    }) : () -> ()
    %mul3A_1 = arith.constant 632 : i32
    %mul3A_2 = arith.muli %arg1, %mul3A_1 : i32
    "tpu.region"() ({
      %run_scoped3A = tpu.sem_alloc : memref<!tpu.dma_semaphore, #tpu.memory_space<semaphore_mem>>
      %dma_start3A_18 = arith.constant 0 : i32
      %dma_start3A_19 = tpu.memref_slice %arg11[%mul3A_2, %dma_start3A_18] : memref<10112x128xf32, #tpu.memory_space<vmem_shared>> -> memref<632x128xf32, #tpu.memory_space<vmem_shared>>
      tpu.enqueue_dma source(%arg5 : memref<632x128xf32, #tpu.memory_space<hbm>>) target(%dma_start3A_19 : memref<632x128xf32, #tpu.memory_space<vmem_shared>>) target_semaphore(%run_scoped3A : memref<!tpu.dma_semaphore, #tpu.memory_space<semaphore_mem>>)
      %dma_wait3A = arith.constant 0 : i32
      %dma_wait3A_20 = tpu.memref_slice %arg11[%mul3A_2, %dma_wait3A] : memref<10112x128xf32, #tpu.memory_space<vmem_shared>> -> memref<632x128xf32, #tpu.memory_space<vmem_shared>>
      tpu.wait_dma2 semaphore(%run_scoped3A : memref<!tpu.dma_semaphore, #tpu.memory_space<semaphore_mem>>) src(%arg5 : memref<632x128xf32, #tpu.memory_space<hbm>>) dst(%dma_wait3A_20 : memref<632x128xf32, #tpu.memory_space<vmem_shared>>)
      tpu.yield
    }) : () -> ()
    %barrier3A = arith.constant 0 : index
    tpu.barrier barrier_id(%barrier3A)
    %dma_start3A = arith.constant 0 : i32
    %dma_start3A_3 = arith.constant 0 : i32
    %dma_start3A_4 = tpu.memref_slice %arg7[%dma_start3A, %dma_start3A_3] : memref<40x128xi32, #tpu.memory_space<vmem>> -> memref<1x128xi32, #tpu.memory_space<vmem>>
    %dma_start3A_5 = tpu.memref_squeeze %dma_start3A_4 : memref<1x128xi32, #tpu.memory_space<vmem>> -> memref<128xi32, #tpu.memory_space<vmem>>
    %dma_start3A_6 = arith.constant 0 : i32
    %dma_start3A_7 = arith.constant 0 : i32
    %dma_start3A_8 = tpu.memref_slice %arg4[%dma_start3A_6, %dma_start3A_7] : memref<10112x128xf32, #tpu.memory_space<hbm>> -> memref<10112x128xf32, #tpu.memory_space<hbm>>
    tpu.enqueue_indirect_dma source(%dma_start3A_8 : memref<10112x128xf32, #tpu.memory_space<hbm>>) target(%arg9 : memref<128x128xf32, #tpu.memory_space<vmem>>) offsets(%dma_start3A_5 : memref<128xi32, #tpu.memory_space<vmem>>) semaphore(%arg12 : memref<!tpu.dma_semaphore, #tpu.memory_space<semaphore_mem>>)
    %scan3A = arith.constant 0 : i32
    %scan3A_9 = arith.constant 20 : i32
    %scan3A_10 = arith.addi %scan3A, %scan3A_9 : i32
    %scan3A_11 = arith.constant 1 : i32
    scf.for %scan3A_18 = %scan3A to %scan3A_10 step %scan3A_11  : i32 {
      %mul3A_19 = arith.constant 2 : i32
      %mul3A_20 = arith.muli %scan3A_18, %mul3A_19 : i32
      %add3A_21 = arith.constant 0 : i32
      %add3A_22 = arith.addi %add3A_21, %mul3A_20 : i32
      %add3A_23 = arith.constant 0 : i32
      %add3A_24 = arith.addi %add3A_22, %add3A_23 : i32
      %add3A_25 = arith.constant 2 : i32
      %add3A_26 = arith.addi %add3A_24, %add3A_25 : i32
      %sub3A = arith.constant 1 : i32
      %sub3A_27 = arith.subi %add3A_26, %sub3A : i32
      %lt3A = arith.constant 40 : i32
      %lt3A_28 = arith.cmpi slt, %sub3A_27, %lt3A : i32
      %convert_element_type3A = arith.extui %lt3A_28 : i1 to i32
      %cond3A = arith.constant 0 : i32
      %cond3A_29 = arith.cmpi ne, %convert_element_type3A, %cond3A : i32
      scf.if %cond3A_29 {
        %add3A_52 = arith.constant 2 : i32
        %add3A_53 = arith.addi %add3A_24, %add3A_52 : i32
        %sub3A_54 = arith.constant 1 : i32
        %sub3A_55 = arith.subi %add3A_53, %sub3A_54 : i32
        %dma_start3A_56 = arith.constant 0 : i32
        %dma_start3A_57 = tpu.memref_slice %arg7[%sub3A_55, %dma_start3A_56] : memref<40x128xi32, #tpu.memory_space<vmem>> -> memref<1x128xi32, #tpu.memory_space<vmem>>
        %dma_start3A_58 = tpu.memref_squeeze %dma_start3A_57 : memref<1x128xi32, #tpu.memory_space<vmem>> -> memref<128xi32, #tpu.memory_space<vmem>>
        %dma_start3A_59 = arith.constant 0 : i32
        %dma_start3A_60 = arith.constant 0 : i32
        %dma_start3A_61 = tpu.memref_slice %arg4[%dma_start3A_59, %dma_start3A_60] : memref<10112x128xf32, #tpu.memory_space<hbm>> -> memref<10112x128xf32, #tpu.memory_space<hbm>>
        tpu.enqueue_indirect_dma source(%dma_start3A_61 : memref<10112x128xf32, #tpu.memory_space<hbm>>) target(%arg10 : memref<128x128xf32, #tpu.memory_space<vmem>>) offsets(%dma_start3A_58 : memref<128xi32, #tpu.memory_space<vmem>>) semaphore(%arg13 : memref<!tpu.dma_semaphore, #tpu.memory_space<semaphore_mem>>)
      } else {
      }
      %dma_wait3A = arith.constant 0 : i32
      %dma_wait3A_30 = tpu.memref_slice %arg7[%add3A_24, %dma_wait3A] : memref<40x128xi32, #tpu.memory_space<vmem>> -> memref<1x128xi32, #tpu.memory_space<vmem>>
      %dma_wait3A_31 = tpu.memref_squeeze %dma_wait3A_30 : memref<1x128xi32, #tpu.memory_space<vmem>> -> memref<128xi32, #tpu.memory_space<vmem>>
      %dma_wait3A_32 = arith.constant 0 : i32
      %dma_wait3A_33 = arith.constant 0 : i32
      %dma_wait3A_34 = tpu.memref_slice %arg4[%dma_wait3A_32, %dma_wait3A_33] : memref<10112x128xf32, #tpu.memory_space<hbm>> -> memref<10112x128xf32, #tpu.memory_space<hbm>>
      tpu.wait_indirect_dma semaphore(%arg12 : memref<!tpu.dma_semaphore, #tpu.memory_space<semaphore_mem>>) src(%dma_wait3A_34 : memref<10112x128xf32, #tpu.memory_space<hbm>>) dst(%arg9 : memref<128x128xf32, #tpu.memory_space<vmem>>)
      "tpu.region"() ({
        %run_scoped3A = tpu.sem_alloc : memref<!tpu.dma_semaphore, #tpu.memory_space<semaphore_mem>>
        %dma_start3A_52 = arith.constant 0 : i32
        %dma_start3A_53 = tpu.memref_slice %arg8[%add3A_24, %dma_start3A_52] : memref<40x128xi32, #tpu.memory_space<vmem>> -> memref<1x128xi32, #tpu.memory_space<vmem>>
        %dma_start3A_54 = tpu.memref_squeeze %dma_start3A_53 : memref<1x128xi32, #tpu.memory_space<vmem>> -> memref<128xi32, #tpu.memory_space<vmem>>
        %dma_start3A_55 = arith.constant 0 : i32
        %dma_start3A_56 = arith.constant 0 : i32
        %dma_start3A_57 = tpu.memref_slice %arg11[%dma_start3A_55, %dma_start3A_56] : memref<10112x128xf32, #tpu.memory_space<vmem_shared>> -> memref<10112x128xf32, #tpu.memory_space<vmem_shared>>
        tpu.enqueue_indirect_dma source(%arg9 : memref<128x128xf32, #tpu.memory_space<vmem>>) target(%dma_start3A_57 : memref<10112x128xf32, #tpu.memory_space<vmem_shared>>) offsets(%dma_start3A_54 : memref<128xi32, #tpu.memory_space<vmem>>) semaphore(%run_scoped3A : memref<!tpu.dma_semaphore, #tpu.memory_space<semaphore_mem>>) {add = true}
        %dma_wait3A_58 = arith.constant 0 : i32
        %dma_wait3A_59 = tpu.memref_slice %arg8[%add3A_24, %dma_wait3A_58] : memref<40x128xi32, #tpu.memory_space<vmem>> -> memref<1x128xi32, #tpu.memory_space<vmem>>
        %dma_wait3A_60 = tpu.memref_squeeze %dma_wait3A_59 : memref<1x128xi32, #tpu.memory_space<vmem>> -> memref<128xi32, #tpu.memory_space<vmem>>
        %dma_wait3A_61 = arith.constant 0 : i32
        %dma_wait3A_62 = arith.constant 0 : i32
        %dma_wait3A_63 = tpu.memref_slice %arg11[%dma_wait3A_61, %dma_wait3A_62] : memref<10112x128xf32, #tpu.memory_space<vmem_shared>> -> memref<10112x128xf32, #tpu.memory_space<vmem_shared>>
        tpu.wait_indirect_dma semaphore(%run_scoped3A : memref<!tpu.dma_semaphore, #tpu.memory_space<semaphore_mem>>) src(%arg9 : memref<128x128xf32, #tpu.memory_space<vmem>>) dst(%dma_wait3A_63 : memref<10112x128xf32, #tpu.memory_space<vmem_shared>>)
        tpu.yield
      }) : () -> ()
      %add3A_35 = arith.constant 1 : i32
      %add3A_36 = arith.addi %add3A_22, %add3A_35 : i32
      %add3A_37 = arith.constant 2 : i32
      %add3A_38 = arith.addi %add3A_36, %add3A_37 : i32
      %sub3A_39 = arith.constant 1 : i32
      %sub3A_40 = arith.subi %add3A_38, %sub3A_39 : i32
      %lt3A_41 = arith.constant 40 : i32
      %lt3A_42 = arith.cmpi slt, %sub3A_40, %lt3A_41 : i32
      %convert_element_type3A_43 = arith.extui %lt3A_42 : i1 to i32
      %cond3A_44 = arith.constant 0 : i32
      %cond3A_45 = arith.cmpi ne, %convert_element_type3A_43, %cond3A_44 : i32
      scf.if %cond3A_45 {
        %add3A_52 = arith.constant 2 : i32
        %add3A_53 = arith.addi %add3A_36, %add3A_52 : i32
        %sub3A_54 = arith.constant 1 : i32
        %sub3A_55 = arith.subi %add3A_53, %sub3A_54 : i32
        %dma_start3A_56 = arith.constant 0 : i32
        %dma_start3A_57 = tpu.memref_slice %arg7[%sub3A_55, %dma_start3A_56] : memref<40x128xi32, #tpu.memory_space<vmem>> -> memref<1x128xi32, #tpu.memory_space<vmem>>
        %dma_start3A_58 = tpu.memref_squeeze %dma_start3A_57 : memref<1x128xi32, #tpu.memory_space<vmem>> -> memref<128xi32, #tpu.memory_space<vmem>>
        %dma_start3A_59 = arith.constant 0 : i32
        %dma_start3A_60 = arith.constant 0 : i32
        %dma_start3A_61 = tpu.memref_slice %arg4[%dma_start3A_59, %dma_start3A_60] : memref<10112x128xf32, #tpu.memory_space<hbm>> -> memref<10112x128xf32, #tpu.memory_space<hbm>>
        tpu.enqueue_indirect_dma source(%dma_start3A_61 : memref<10112x128xf32, #tpu.memory_space<hbm>>) target(%arg9 : memref<128x128xf32, #tpu.memory_space<vmem>>) offsets(%dma_start3A_58 : memref<128xi32, #tpu.memory_space<vmem>>) semaphore(%arg12 : memref<!tpu.dma_semaphore, #tpu.memory_space<semaphore_mem>>)
      } else {
      }
      %dma_wait3A_46 = arith.constant 0 : i32
      %dma_wait3A_47 = tpu.memref_slice %arg7[%add3A_36, %dma_wait3A_46] : memref<40x128xi32, #tpu.memory_space<vmem>> -> memref<1x128xi32, #tpu.memory_space<vmem>>
      %dma_wait3A_48 = tpu.memref_squeeze %dma_wait3A_47 : memref<1x128xi32, #tpu.memory_space<vmem>> -> memref<128xi32, #tpu.memory_space<vmem>>
      %dma_wait3A_49 = arith.constant 0 : i32
      %dma_wait3A_50 = arith.constant 0 : i32
      %dma_wait3A_51 = tpu.memref_slice %arg4[%dma_wait3A_49, %dma_wait3A_50] : memref<10112x128xf32, #tpu.memory_space<hbm>> -> memref<10112x128xf32, #tpu.memory_space<hbm>>
      tpu.wait_indirect_dma semaphore(%arg13 : memref<!tpu.dma_semaphore, #tpu.memory_space<semaphore_mem>>) src(%dma_wait3A_51 : memref<10112x128xf32, #tpu.memory_space<hbm>>) dst(%arg10 : memref<128x128xf32, #tpu.memory_space<vmem>>)
      "tpu.region"() ({
        %run_scoped3A = tpu.sem_alloc : memref<!tpu.dma_semaphore, #tpu.memory_space<semaphore_mem>>
        %dma_start3A_52 = arith.constant 0 : i32
        %dma_start3A_53 = tpu.memref_slice %arg8[%add3A_36, %dma_start3A_52] : memref<40x128xi32, #tpu.memory_space<vmem>> -> memref<1x128xi32, #tpu.memory_space<vmem>>
        %dma_start3A_54 = tpu.memref_squeeze %dma_start3A_53 : memref<1x128xi32, #tpu.memory_space<vmem>> -> memref<128xi32, #tpu.memory_space<vmem>>
        %dma_start3A_55 = arith.constant 0 : i32
        %dma_start3A_56 = arith.constant 0 : i32
        %dma_start3A_57 = tpu.memref_slice %arg11[%dma_start3A_55, %dma_start3A_56] : memref<10112x128xf32, #tpu.memory_space<vmem_shared>> -> memref<10112x128xf32, #tpu.memory_space<vmem_shared>>
        tpu.enqueue_indirect_dma source(%arg10 : memref<128x128xf32, #tpu.memory_space<vmem>>) target(%dma_start3A_57 : memref<10112x128xf32, #tpu.memory_space<vmem_shared>>) offsets(%dma_start3A_54 : memref<128xi32, #tpu.memory_space<vmem>>) semaphore(%run_scoped3A : memref<!tpu.dma_semaphore, #tpu.memory_space<semaphore_mem>>) {add = true}
        %dma_wait3A_58 = arith.constant 0 : i32
        %dma_wait3A_59 = tpu.memref_slice %arg8[%add3A_36, %dma_wait3A_58] : memref<40x128xi32, #tpu.memory_space<vmem>> -> memref<1x128xi32, #tpu.memory_space<vmem>>
        %dma_wait3A_60 = tpu.memref_squeeze %dma_wait3A_59 : memref<1x128xi32, #tpu.memory_space<vmem>> -> memref<128xi32, #tpu.memory_space<vmem>>
        %dma_wait3A_61 = arith.constant 0 : i32
        %dma_wait3A_62 = arith.constant 0 : i32
        %dma_wait3A_63 = tpu.memref_slice %arg11[%dma_wait3A_61, %dma_wait3A_62] : memref<10112x128xf32, #tpu.memory_space<vmem_shared>> -> memref<10112x128xf32, #tpu.memory_space<vmem_shared>>
        tpu.wait_indirect_dma semaphore(%run_scoped3A : memref<!tpu.dma_semaphore, #tpu.memory_space<semaphore_mem>>) src(%arg10 : memref<128x128xf32, #tpu.memory_space<vmem>>) dst(%dma_wait3A_63 : memref<10112x128xf32, #tpu.memory_space<vmem_shared>>)
        tpu.yield
      }) : () -> ()
    }
    %scan3A_12 = arith.constant 20 : i32
    %barrier3A_13 = arith.constant 0 : index
    tpu.barrier barrier_id(%barrier3A_13)
    %mul3A_14 = arith.constant 632 : i32
    %mul3A_15 = arith.muli %arg1, %mul3A_14 : i32
    %mul3A_16 = arith.constant 632 : i32
    %mul3A_17 = arith.muli %arg1, %mul3A_16 : i32
    "tpu.region"() ({
      %run_scoped3A = tpu.sem_alloc : memref<!tpu.dma_semaphore, #tpu.memory_space<semaphore_mem>>
      %dma_start3A_18 = arith.constant 0 : i32
      %dma_start3A_19 = tpu.memref_slice %arg6[%arg0, %mul3A_17, %dma_start3A_18] : memref<2x10112x128xf32, #tpu.memory_space<hbm>> -> memref<1x632x128xf32, #tpu.memory_space<hbm>>
      %dma_start3A_20 = tpu.memref_squeeze %dma_start3A_19 : memref<1x632x128xf32, #tpu.memory_space<hbm>> -> memref<632x128xf32, #tpu.memory_space<hbm>>
      %dma_start3A_21 = arith.constant 0 : i32
      %dma_start3A_22 = tpu.memref_slice %arg11[%mul3A_15, %dma_start3A_21] : memref<10112x128xf32, #tpu.memory_space<vmem_shared>> -> memref<632x128xf32, #tpu.memory_space<vmem_shared>>
      tpu.enqueue_dma source(%dma_start3A_22 : memref<632x128xf32, #tpu.memory_space<vmem_shared>>) target(%dma_start3A_20 : memref<632x128xf32, #tpu.memory_space<hbm>>) target_semaphore(%run_scoped3A : memref<!tpu.dma_semaphore, #tpu.memory_space<semaphore_mem>>)
      %dma_wait3A = arith.constant 0 : i32
      %dma_wait3A_23 = tpu.memref_slice %arg6[%arg0, %mul3A_17, %dma_wait3A] : memref<2x10112x128xf32, #tpu.memory_space<hbm>> -> memref<1x632x128xf32, #tpu.memory_space<hbm>>
      %dma_wait3A_24 = tpu.memref_squeeze %dma_wait3A_23 : memref<1x632x128xf32, #tpu.memory_space<hbm>> -> memref<632x128xf32, #tpu.memory_space<hbm>>
      %dma_wait3A_25 = arith.constant 0 : i32
      %dma_wait3A_26 = tpu.memref_slice %arg11[%mul3A_15, %dma_wait3A_25] : memref<10112x128xf32, #tpu.memory_space<vmem_shared>> -> memref<632x128xf32, #tpu.memory_space<vmem_shared>>
      tpu.wait_dma2 semaphore(%run_scoped3A : memref<!tpu.dma_semaphore, #tpu.memory_space<semaphore_mem>>) src(%dma_wait3A_26 : memref<632x128xf32, #tpu.memory_space<vmem_shared>>) dst(%dma_wait3A_24 : memref<632x128xf32, #tpu.memory_space<hbm>>)
      tpu.yield
    }) : () -> ()
    return
  }
}

module attributes {stable_mosaic.version = 14 : i64} {
  func.func @_matmul_body(%arg0: i32, %arg1: memref<2000x256xf32, #tpu.memory_space<vmem>>, %arg2: memref<256x32xf32, #tpu.memory_space<vmem>>, %arg3: memref<2000x32xf32, #tpu.memory_space<vmem>>) attributes {dimension_semantics = [#tpu.dimension_semantics<arbitrary>], iteration_bounds = array<i64: 5>, scalar_prefetch = 0 : i64, scratch_operands = 0 : i64, tpu.core_type = #tpu.core_type<tc>, window_params = [{transform_indices = @transform_0, window_bounds = array<i64: 2000, 256>}, {pipeline_mode = #tpu.pipeline_mode<synchronous>, transform_indices = @transform_1, window_bounds = array<i64: 256, 32>}, {transform_indices = @transform_2, window_bounds = array<i64: 2000, 32>}]} {
    %get3A = arith.constant 0 : index
    %get3A_0 = arith.constant 0 : index
    %get3A_1 = vector.load %arg1[%get3A, %get3A_0] : memref<2000x256xf32, #tpu.memory_space<vmem>>, vector<2000x256xf32>
    %get3A_2 = arith.constant 0 : index
    %get3A_3 = arith.constant 0 : index
    %get3A_4 = vector.load %arg2[%get3A_2, %get3A_3] : memref<256x32xf32, #tpu.memory_space<vmem>>, vector<256x32xf32>
    %dot_general3A = arith.constant dense<0.000000e+00> : vector<2000x32xf32>
    %dot_general3A_5 = tpu.matmul %get3A_1, %get3A_4, %dot_general3A {dimension_numbers = #tpu.dot_dimension_numbers<[1], [0], [0], [1], [0, 0, 1, 1], [], []>, transpose_lhs_hint = false} : vector<2000x256xf32>, vector<256x32xf32>, vector<2000x32xf32> -> vector<2000x32xf32>
    %swap3A = arith.constant 0 : index
    %swap3A_6 = arith.constant 0 : index
    %swap3A_7 = vector.load %arg3[%swap3A, %swap3A_6] : memref<2000x32xf32, #tpu.memory_space<vmem>>, vector<2000x32xf32>
    tpu.vector_store %arg3[%swap3A, %swap3A_6], %dot_general3A_5 {strides = array<i32>} : memref<2000x32xf32, #tpu.memory_space<vmem>>, vector<2000x32xf32>,
    return
  }
  func.func @transform_0(%arg0: i32) -> (i32, i32) {
    %c0_i32 = arith.constant 0 : i32
    %c0_i32_0 = arith.constant 0 : i32
    return %arg0, %c0_i32 : i32, i32
  }
  func.func @transform_1(%arg0: i32) -> (i32, i32) {
    %c0_i32 = arith.constant 0 : i32
    %c0_i32_0 = arith.constant 0 : i32
    %c0_i32_1 = arith.constant 0 : i32
    return %c0_i32, %c0_i32_0 : i32, i32
  }
  func.func @transform_2(%arg0: i32) -> (i32, i32) {
    %c0_i32 = arith.constant 0 : i32
    %c0_i32_0 = arith.constant 0 : i32
    return %arg0, %c0_i32 : i32, i32
  }
}

module attributes {stable_mosaic.version = 14 : i64} {
  func.func @_scale_body(%arg0: i32, %arg1: memref<2000x32xf32, #tpu.memory_space<vmem>>, %arg2: memref<2x2000x128xf32, #tpu.memory_space<vmem>>, %arg3: memref<2000x128xf32, #tpu.memory_space<vmem>>) attributes {dimension_semantics = [#tpu.dimension_semantics<arbitrary>], iteration_bounds = array<i64: 5>, scalar_prefetch = 0 : i64, scratch_operands = 0 : i64, tpu.core_type = #tpu.core_type<tc>, window_params = [{transform_indices = @transform_0, window_bounds = array<i64: 2000, 32>}, {transform_indices = @transform_1, window_bounds = array<i64: 2, 2000, 128>}, {transform_indices = @transform_2, window_bounds = array<i64: 2000, 128>}]} {
    %get3A = arith.constant 0 : index
    %get3A_0 = arith.constant 0 : index
    %get3A_1 = arith.constant 0 : index
    %get3A_2 = vector.load %arg2[%get3A, %get3A_0, %get3A_1] : memref<2x2000x128xf32, #tpu.memory_space<vmem>>, vector<1x2000x1xf32>
    %get3A_3 = vector.shape_cast %get3A_2 : vector<1x2000x1xf32> to vector<2000x1xf32>
    %get3A_4 = arith.constant 1 : index
    %get3A_5 = arith.constant 0 : index
    %get3A_6 = arith.constant 0 : index
    %get3A_7 = vector.load %arg2[%get3A_4, %get3A_5, %get3A_6] : memref<2x2000x128xf32, #tpu.memory_space<vmem>>, vector<1x2000x1xf32>
    %get3A_8 = vector.shape_cast %get3A_7 : vector<1x2000x1xf32> to vector<2000x1xf32>
    %add3A = arith.addf %get3A_3, %get3A_8 : vector<2000x1xf32>
    %add3A_9 = arith.constant 1.000000e+00 : f32
    %add3A_10 = vector.broadcast %add3A_9 : f32 to vector<2000x1xf32>
    %add3A_11 = arith.addf %add3A, %add3A_10 : vector<2000x1xf32>
    %get3A_12 = arith.constant 0 : index
    %get3A_13 = arith.constant 0 : index
    %get3A_14 = vector.load %arg1[%get3A_12, %get3A_13] : memref<2000x32xf32, #tpu.memory_space<vmem>>, vector<2000x32xf32>
    %rsqrt3A = math.rsqrt %add3A_11 : vector<2000x1xf32>
    %mul3A = vector.broadcast %rsqrt3A : vector<2000x1xf32> to vector<2000x32xf32>
    %mul3A_15 = arith.mulf %get3A_14, %mul3A : vector<2000x32xf32>
    %broadcast_in_dim3A = arith.constant 0.000000e+00 : f32
    %broadcast_in_dim3A_16 = vector.broadcast %broadcast_in_dim3A : f32 to vector<2000x96xf32>
    %concatenate3A = tpu.concatenate %mul3A_15, %broadcast_in_dim3A_16 in 1 : vector<2000x32xf32>, vector<2000x96xf32> -> vector<2000x128xf32>
    %swap3A = arith.constant 0 : index
    %swap3A_17 = arith.constant 0 : index
    %swap3A_18 = vector.load %arg3[%swap3A, %swap3A_17] : memref<2000x128xf32, #tpu.memory_space<vmem>>, vector<2000x128xf32>
    tpu.vector_store %arg3[%swap3A, %swap3A_17], %concatenate3A {strides = array<i32>} : memref<2000x128xf32, #tpu.memory_space<vmem>>, vector<2000x128xf32>,
    return
  }
  func.func @transform_0(%arg0: i32) -> (i32, i32) {
    %c0_i32 = arith.constant 0 : i32
    %c0_i32_0 = arith.constant 0 : i32
    return %arg0, %c0_i32 : i32, i32
  }
  func.func @transform_1(%arg0: i32) -> (i32, i32, i32) {
    %c0_i32 = arith.constant 0 : i32
    %c0_i32_0 = arith.constant 0 : i32
    %c0_i32_1 = arith.constant 0 : i32
    return %c0_i32, %arg0, %c0_i32_0 : i32, i32, i32
  }
  func.func @transform_2(%arg0: i32) -> (i32, i32) {
    %c0_i32 = arith.constant 0 : i32
    %c0_i32_0 = arith.constant 0 : i32
    return %arg0, %c0_i32 : i32, i32
  }
}

module attributes {stable_mosaic.version = 14 : i64} {
  func.func @_final_body(%arg0: i32, %arg1: memref<2000x32xf32, #tpu.memory_space<vmem>>, %arg2: memref<2x2000x128xf32, #tpu.memory_space<vmem>>, %arg3: memref<2x2000x128xf32, #tpu.memory_space<vmem>>, %arg4: memref<1x32xf32, #tpu.memory_space<vmem>>, %arg5: memref<32x64xf32, #tpu.memory_space<vmem>>, %arg6: memref<1x64xf32, #tpu.memory_space<vmem>>, %arg7: memref<32x64xf32, #tpu.memory_space<vmem>>, %arg8: memref<1x64xf32, #tpu.memory_space<vmem>>, %arg9: memref<1x64xf32, #tpu.memory_space<vmem>>, %arg10: memref<1x64xf32, #tpu.memory_space<vmem>>, %arg11: memref<1x32xf32, #tpu.memory_space<vmem>>) attributes {dimension_semantics = [#tpu.dimension_semantics<arbitrary>], iteration_bounds = array<i64: 5>, scalar_prefetch = 0 : i64, scratch_operands = 1 : i64, tpu.core_type = #tpu.core_type<tc>, window_params = [{transform_indices = @transform_0, window_bounds = array<i64: 2000, 32>}, {transform_indices = @transform_1, window_bounds = array<i64: 2, 2000, 128>}, {transform_indices = @transform_2, window_bounds = array<i64: 2, 2000, 128>}, {pipeline_mode = #tpu.pipeline_mode<synchronous>, transform_indices = @transform_3, window_bounds = array<i64: 1, 32>}, {pipeline_mode = #tpu.pipeline_mode<synchronous>, transform_indices = @transform_4, window_bounds = array<i64: 32, 64>}, {pipeline_mode = #tpu.pipeline_mode<synchronous>, transform_indices = @transform_5, window_bounds = array<i64: 1, 64>}, {pipeline_mode = #tpu.pipeline_mode<synchronous>, transform_indices = @transform_6, window_bounds = array<i64: 32, 64>}, {pipeline_mode = #tpu.pipeline_mode<synchronous>, transform_indices = @transform_7, window_bounds = array<i64: 1, 64>}, {pipeline_mode = #tpu.pipeline_mode<synchronous>, transform_indices = @transform_8, window_bounds = array<i64: 1, 64>}, {pipeline_mode = #tpu.pipeline_mode<synchronous>, transform_indices = @transform_9, window_bounds = array<i64: 1, 64>}]} {
    %get3A = arith.constant 0 : index
    %get3A_0 = arith.constant 0 : index
    %get3A_1 = arith.constant 0 : index
    %get3A_2 = vector.load %arg2[%get3A, %get3A_0, %get3A_1] : memref<2x2000x128xf32, #tpu.memory_space<vmem>>, vector<1x2000x1xf32>
    %get3A_3 = vector.shape_cast %get3A_2 : vector<1x2000x1xf32> to vector<2000x1xf32>
    %get3A_4 = arith.constant 1 : index
    %get3A_5 = arith.constant 0 : index
    %get3A_6 = arith.constant 0 : index
    %get3A_7 = vector.load %arg2[%get3A_4, %get3A_5, %get3A_6] : memref<2x2000x128xf32, #tpu.memory_space<vmem>>, vector<1x2000x1xf32>
    %get3A_8 = vector.shape_cast %get3A_7 : vector<1x2000x1xf32> to vector<2000x1xf32>
    %add3A = arith.addf %get3A_3, %get3A_8 : vector<2000x1xf32>
    %add3A_9 = arith.constant 1.000000e+00 : f32
    %add3A_10 = vector.broadcast %add3A_9 : f32 to vector<2000x1xf32>
    %add3A_11 = arith.addf %add3A, %add3A_10 : vector<2000x1xf32>
    %rsqrt3A = math.rsqrt %add3A_11 : vector<2000x1xf32>
    %get3A_12 = arith.constant 0 : index
    %get3A_13 = arith.constant 0 : index
    %get3A_14 = arith.constant 0 : index
    %get3A_15 = vector.load %arg3[%get3A_12, %get3A_13, %get3A_14] : memref<2x2000x128xf32, #tpu.memory_space<vmem>>, vector<1x2000x32xf32>
    %get3A_16 = vector.shape_cast %get3A_15 : vector<1x2000x32xf32> to vector<2000x32xf32>
    %get3A_17 = arith.constant 1 : index
    %get3A_18 = arith.constant 0 : index
    %get3A_19 = arith.constant 0 : index
    %get3A_20 = vector.load %arg3[%get3A_17, %get3A_18, %get3A_19] : memref<2x2000x128xf32, #tpu.memory_space<vmem>>, vector<1x2000x32xf32>
    %get3A_21 = vector.shape_cast %get3A_20 : vector<1x2000x32xf32> to vector<2000x32xf32>
    %add3A_22 = arith.addf %get3A_16, %get3A_21 : vector<2000x32xf32>
    %mul3A = vector.broadcast %rsqrt3A : vector<2000x1xf32> to vector<2000x32xf32>
    %mul3A_23 = arith.mulf %mul3A, %add3A_22 : vector<2000x32xf32>
    %mul3A_24 = arith.mulf %rsqrt3A, %rsqrt3A : vector<2000x1xf32>
    %get3A_25 = arith.constant 0 : index
    %get3A_26 = arith.constant 0 : index
    %get3A_27 = vector.load %arg1[%get3A_25, %get3A_26] : memref<2000x32xf32, #tpu.memory_space<vmem>>, vector<2000x32xf32>
    %mul3A_28 = vector.broadcast %mul3A_24 : vector<2000x1xf32> to vector<2000x32xf32>
    %mul3A_29 = arith.mulf %mul3A_28, %get3A_27 : vector<2000x32xf32>
    %add3A_30 = arith.addf %mul3A_23, %mul3A_29 : vector<2000x32xf32>
    %get3A_31 = arith.constant 0 : index
    %get3A_32 = arith.constant 0 : index
    %get3A_33 = vector.load %arg4[%get3A_31, %get3A_32] : memref<1x32xf32, #tpu.memory_space<vmem>>, vector<1x32xf32>
    %add3A_34 = vector.broadcast %get3A_33 : vector<1x32xf32> to vector<2000x32xf32>
    %add3A_35 = arith.addf %add3A_30, %add3A_34 : vector<2000x32xf32>
    %max3A = arith.constant 0.000000e+00 : f32
    %max3A_36 = vector.broadcast %max3A : f32 to vector<2000x32xf32>
    %max3A_37 = arith.maximumf %add3A_35, %max3A_36 : vector<2000x32xf32>
    %reduce_sum3A = arith.constant dense<0.000000e+00> : vector<32xf32>
    %reduce_sum3A_38 = vector.multi_reduction <add>, %max3A_37, %reduce_sum3A [0] : vector<2000x32xf32> to vector<32xf32>
    %broadcast_in_dim3A = vector.shape_cast %reduce_sum3A_38 : vector<32xf32> to vector<1x32xf32>
    %eq3A = arith.constant 0 : i32
    %eq3A_39 = arith.cmpi eq, %arg0, %eq3A : i32
    %convert_element_type3A = arith.extui %eq3A_39 : i1 to i32
    %cond3A = arith.constant 0 : i32
    %cond3A_40 = arith.cmpi ne, %convert_element_type3A, %cond3A : i32
    scf.if %cond3A_40 {
      %swap3A = arith.constant 0 : index
      %swap3A_50 = arith.constant 0 : index
      %swap3A_51 = vector.load %arg11[%swap3A, %swap3A_50] : memref<1x32xf32, #tpu.memory_space<vmem>>, vector<1x32xf32>
      tpu.vector_store %arg11[%swap3A, %swap3A_50], %broadcast_in_dim3A {strides = array<i32>} : memref<1x32xf32, #tpu.memory_space<vmem>>, vector<1x32xf32>,
    } else {
    }
    %gt3A = arith.constant 0 : i32
    %gt3A_41 = arith.cmpi sgt, %arg0, %gt3A : i32
    %convert_element_type3A_42 = arith.extui %gt3A_41 : i1 to i32
    %cond3A_43 = arith.constant 0 : i32
    %cond3A_44 = arith.cmpi ne, %convert_element_type3A_42, %cond3A_43 : i32
    scf.if %cond3A_44 {
      %get3A_50 = arith.constant 0 : index
      %get3A_51 = arith.constant 0 : index
      %get3A_52 = vector.load %arg11[%get3A_50, %get3A_51] : memref<1x32xf32, #tpu.memory_space<vmem>>, vector<1x32xf32>
      %add3A_53 = arith.addf %get3A_52, %broadcast_in_dim3A : vector<1x32xf32>
      %swap3A = arith.constant 0 : index
      %swap3A_54 = arith.constant 0 : index
      %swap3A_55 = vector.load %arg11[%swap3A, %swap3A_54] : memref<1x32xf32, #tpu.memory_space<vmem>>, vector<1x32xf32>
      tpu.vector_store %arg11[%swap3A, %swap3A_54], %add3A_53 {strides = array<i32>} : memref<1x32xf32, #tpu.memory_space<vmem>>, vector<1x32xf32>,
    } else {
    }
    %eq3A_45 = arith.constant 4 : i32
    %eq3A_46 = arith.cmpi eq, %arg0, %eq3A_45 : i32
    %convert_element_type3A_47 = arith.extui %eq3A_46 : i1 to i32
    %cond3A_48 = arith.constant 0 : i32
    %cond3A_49 = arith.cmpi ne, %convert_element_type3A_47, %cond3A_48 : i32
    scf.if %cond3A_49 {
      %get3A_50 = arith.constant 0 : index
      %get3A_51 = arith.constant 0 : index
      %get3A_52 = vector.load %arg11[%get3A_50, %get3A_51] : memref<1x32xf32, #tpu.memory_space<vmem>>, vector<1x32xf32>
      %mul3A_53 = arith.constant 9.99999974E-5 : f32
      %mul3A_54 = vector.broadcast %mul3A_53 : f32 to vector<1x32xf32>
      %mul3A_55 = arith.mulf %get3A_52, %mul3A_54 : vector<1x32xf32>
      %get3A_56 = arith.constant 0 : index
      %get3A_57 = arith.constant 0 : index
      %get3A_58 = vector.load %arg5[%get3A_56, %get3A_57] : memref<32x64xf32, #tpu.memory_space<vmem>>, vector<32x64xf32>
      %dot_general3A = arith.constant dense<0.000000e+00> : vector<1x64xf32>
      %dot_general3A_59 = tpu.matmul %mul3A_55, %get3A_58, %dot_general3A {dimension_numbers = #tpu.dot_dimension_numbers<[1], [0], [0], [1], [0, 0, 1, 1], [], []>, transpose_lhs_hint = false} : vector<1x32xf32>, vector<32x64xf32>, vector<1x64xf32> -> vector<1x64xf32>
      %get3A_60 = arith.constant 0 : index
      %get3A_61 = arith.constant 0 : index
      %get3A_62 = vector.load %arg6[%get3A_60, %get3A_61] : memref<1x64xf32, #tpu.memory_space<vmem>>, vector<1x64xf32>
      %add3A_63 = arith.addf %dot_general3A_59, %get3A_62 : vector<1x64xf32>
      %swap3A = arith.constant 0 : index
      %swap3A_64 = arith.constant 0 : index
      %swap3A_65 = vector.load %arg9[%swap3A, %swap3A_64] : memref<1x64xf32, #tpu.memory_space<vmem>>, vector<1x64xf32>
      tpu.vector_store %arg9[%swap3A, %swap3A_64], %add3A_63 {strides = array<i32>} : memref<1x64xf32, #tpu.memory_space<vmem>>, vector<1x64xf32>,
      %get3A_66 = arith.constant 0 : index
      %get3A_67 = arith.constant 0 : index
      %get3A_68 = vector.load %arg7[%get3A_66, %get3A_67] : memref<32x64xf32, #tpu.memory_space<vmem>>, vector<32x64xf32>
      %dot_general3A_69 = arith.constant dense<0.000000e+00> : vector<1x64xf32>
      %dot_general3A_70 = tpu.matmul %mul3A_55, %get3A_68, %dot_general3A_69 {dimension_numbers = #tpu.dot_dimension_numbers<[1], [0], [0], [1], [0, 0, 1, 1], [], []>, transpose_lhs_hint = false} : vector<1x32xf32>, vector<32x64xf32>, vector<1x64xf32> -> vector<1x64xf32>
      %get3A_71 = arith.constant 0 : index
      %get3A_72 = arith.constant 0 : index
      %get3A_73 = vector.load %arg8[%get3A_71, %get3A_72] : memref<1x64xf32, #tpu.memory_space<vmem>>, vector<1x64xf32>
      %add3A_74 = arith.addf %dot_general3A_70, %get3A_73 : vector<1x64xf32>
      %swap3A_75 = arith.constant 0 : index
      %swap3A_76 = arith.constant 0 : index
      %swap3A_77 = vector.load %arg10[%swap3A_75, %swap3A_76] : memref<1x64xf32, #tpu.memory_space<vmem>>, vector<1x64xf32>
      tpu.vector_store %arg10[%swap3A_75, %swap3A_76], %add3A_74 {strides = array<i32>} : memref<1x64xf32, #tpu.memory_space<vmem>>, vector<1x64xf32>,
    } else {
    }
    return
  }
  func.func @transform_0(%arg0: i32) -> (i32, i32) {
    %c0_i32 = arith.constant 0 : i32
    %c0_i32_0 = arith.constant 0 : i32
    return %arg0, %c0_i32 : i32, i32
  }
  func.func @transform_1(%arg0: i32) -> (i32, i32, i32) {
    %c0_i32 = arith.constant 0 : i32
    %c0_i32_0 = arith.constant 0 : i32
    %c0_i32_1 = arith.constant 0 : i32
    return %c0_i32, %arg0, %c0_i32_0 : i32, i32, i32
  }
  func.func @transform_2(%arg0: i32) -> (i32, i32, i32) {
    %c0_i32 = arith.constant 0 : i32
    %c0_i32_0 = arith.constant 0 : i32
    %c0_i32_1 = arith.constant 0 : i32
    return %c0_i32, %arg0, %c0_i32_0 : i32, i32, i32
  }
  func.func @transform_3(%arg0: i32) -> (i32, i32) {
    %c0_i32 = arith.constant 0 : i32
    %c0_i32_0 = arith.constant 0 : i32
    %c0_i32_1 = arith.constant 0 : i32
    return %c0_i32, %c0_i32_0 : i32, i32
  }
  func.func @transform_4(%arg0: i32) -> (i32, i32) {
    %c0_i32 = arith.constant 0 : i32
    %c0_i32_0 = arith.constant 0 : i32
    %c0_i32_1 = arith.constant 0 : i32
    return %c0_i32, %c0_i32_0 : i32, i32
  }
  func.func @transform_5(%arg0: i32) -> (i32, i32) {
    %c0_i32 = arith.constant 0 : i32
    %c0_i32_0 = arith.constant 0 : i32
    %c0_i32_1 = arith.constant 0 : i32
    return %c0_i32, %c0_i32_0 : i32, i32
  }
  func.func @transform_6(%arg0: i32) -> (i32, i32) {
    %c0_i32 = arith.constant 0 : i32
    %c0_i32_0 = arith.constant 0 : i32
    %c0_i32_1 = arith.constant 0 : i32
    return %c0_i32, %c0_i32_0 : i32, i32
  }
  func.func @transform_7(%arg0: i32) -> (i32, i32) {
    %c0_i32 = arith.constant 0 : i32
    %c0_i32_0 = arith.constant 0 : i32
    %c0_i32_1 = arith.constant 0 : i32
    return %c0_i32, %c0_i32_0 : i32, i32
  }
  func.func @transform_8(%arg0: i32) -> (i32, i32) {
    %c0_i32 = arith.constant 0 : i32
    %c0_i32_0 = arith.constant 0 : i32
    %c0_i32_1 = arith.constant 0 : i32
    return %c0_i32, %c0_i32_0 : i32, i32
  }
  func.func @transform_9(%arg0: i32) -> (i32, i32) {
    %c0_i32 = arith.constant 0 : i32
    %c0_i32_0 = arith.constant 0 : i32
    %c0_i32_1 = arith.constant 0 : i32
    return %c0_i32, %c0_i32_0 : i32, i32
  }
}

</mosaic_0001>

<sc_bundles>
// kernel: kernel.10.cloned.1.call-start
scs
__scs_entry_jumppad:
0x0: {  	(pc) =	sbr.rel $0x88, $3  }
0x1: {  	(tag) =	ssettag $0x0;
	lr =	simm.s32 $0x1  }
0x2: {  	[smem:$0x3F99] =	sst lr;
	_ =	strace $0xD0000000  }
0x3: {  	_ = 	snop  }
0x4: {  	_ = 	snop  }
0x5: {  	_ = 	snop  }
0x6: {  	_ = 	snop  }
0x7: {  	_ = 	snop  }
__scs_overlays_trampoline_lowered:
0x8: {  	[smem:$0x3FA8] =	sst s0  }
0x9: {  	[smem:$0x3FA9] =	sst s1  }
0xa: {  	[smem:$0x3FAA] =	sst s2  }
0xb: {  	[smem:$0x3FAB] =	sst s3  }
0xc: {  	[smem:$0x3FAC] =	sst s4  }
0xd: {  	[smem:$0x3FAD] =	sst s5  }
0xe: {  	[smem:$0x3FAE] =	sst s6  }
0xf: {  	[smem:$0x3FAF] =	sst s7  }
0x10: {  	[smem:$0x3FB0] =	sst s8  }
0x11: {  	[smem:$0x3FB1] =	sst s9;
	s0 =	simm.s32 @!p0 $0x0  }
0x12: {  	s1 =	sld [smem:$0x3F97];
	s0 =	simm.s32 @p0 $0x1  }
0x13: {  	[smem:$0x3FB2] =	sst s0;
	s0 =	simm.s32 @!p1 $0x0  }
0x14: {  	s2 =	sld [smem:$0x3F96];
	s0 =	simm.s32 @p1 $0x1  }
0x15: {  	[smem:$0x3FB3] =	sst s0;
	s0 =	simm.s32 @!p2 $0x0  }
0x16: {  	s3 =	sld [smem:$0x3FDB];
	s0 =	simm.s32 @p2 $0x1  }
0x17: {  	s4 =	simm.s32 $0x1BF5;
	[smem:$0x3FB5] =	sst s0  }
0x18: {  	s0 =	sld [smem:$0x3F98];
	_ =	swait.ge [sflag:s4], $0x0  }
0x19: {  	s7 =	sld [smem:$0x3F99]  }
0x1a: {  	s8 =	sadd.s32 $0xFFFFE003, lr  }
0x1b: {  	s9 =	sadd.s32 $0xFFFFFEF7, lr;
	s5 =	simm.s32 $0xFFFFFFFF;
	p2 =	slt.u32 s8, $0xFFFFF086  }
0x1c: {  	p1 =	slt.u32 s9, $0xF7A;
	s5 =	simm.s32 @!p2 $0x0  }
0x1d: {  	s5 =	simm.s32 @p1 $0x1;
	p0 =	seq.s32 s7, s2  }
0x1e: {  	s7 =	smul.u32 @!p0 $0xF7A, s2;
	p2 =	seq.s32 @!p0 s5, $0x0  }
0x1f: {  	s9 =	smul.u32 $0xF7A, s1;
	s8 =	simm.s32 @!p0 $0x1BF5;
	p2 =	por !p2, p0  }
0x20: {  	[sflag:s8] =	ssyncset.s32 @!p0 $0xFFFFF086;
	s6 =	sadd.s32 @!p0 s3, s7;
	s7 =	simm.s32 @!p0 $0x108  }
0x21: {  	s3 =	sadd.s32 s3, s9;
	s6 =	sadd.s32 @!p0 $0x88, s6;
	s7 =	simm.s32 @p2 $0x1082  }
0x22: {  	[simem:s7], [sflag:s8] =	dma.local @!p0 [hbm:s6], $0xF7A  }
0x23: {  	s9 =	sor.u32 $0xD0000000, s2;
	s6 =	simm.s32 $0x108;
	_ =	swait.ge @!p0 [sflag:s8], $0x0  }
0x24: {  	s3 =	sadd.s32 $0x88, s3;
	s6 =	simm.s32 @!p1 $0x1082;
	[sflag:s4] =	ssyncset.s32 $0xFFFFF086  }
0x25: {  	[simem:s6], [sflag:s4] =	dma.local [hbm:s3], $0xF7A  }
0x26: {  	[smem:$0x3F99] =	sst s1;
	(tag) =	ssettag s2;
	_ =	strace s9  }
0x27: {  	s1 =	sld [smem:$0x3FA9]  }
0x28: {  	s2 =	sld [smem:$0x3FAA]  }
0x29: {  	s4 =	sld [smem:$0x3FAC]  }
0x2a: {  	p0 =	seq.s32 s5, $0x0;
	s5 =	sld [smem:$0x3FAD]  }
0x2b: {  	s6 =	sld [smem:$0x3FAE]  }
0x2c: {  	s7 =	sld [smem:$0x3FAF]  }
0x2d: {  	s3 =	simm.s32 $0x108;
	s8 =	sld [smem:$0x3FB0]  }
0x2e: {  	s3 =	simm.s32 @!p0 $0x1082;
	s9 =	sld [smem:$0x3FB1]  }
0x2f: {  	lr =	sadd.s32 s0, s3;
	s0 =	sld [smem:$0x3FA8]  }
0x30: {  	s3 =	sld [smem:$0x3FAB]  }
0x31: {  	[smem:$0x3FB4] =	sst s10  }
0x32: {  	s10 =	sld [smem:$0x3FB2];
	_ =	sdelay $0x3  }
0x33: {  	p0 =	seq.s32 s10, $0x1;
	s10 =	sld [smem:$0x3FB4];
	_ =	sdelay $0x3  }
0x34: {  	[smem:$0x3FB4] =	sst s10  }
0x35: {  	s10 =	sld [smem:$0x3FB3];
	_ =	sdelay $0x3  }
0x36: {  	p1 =	seq.s32 s10, $0x1;
	s10 =	sld [smem:$0x3FB4];
	_ =	sdelay $0x3  }
0x37: {  	[smem:$0x3FB4] =	sst s10  }
0x38: {  	s10 =	sld [smem:$0x3FB5]  }
0x39: {  	_ = 	snop;
	(pc) =	sbr.ind lr, $3  }
0x3a: {  	_ = 	snop  }
0x3b: {  	_ = 	snop  }
0x3c: {  	p2 =	seq.s32 s10, $0x1;
	s10 =	sld [smem:$0x3FB4]  }
0x3d: {  	_ =	shalt  }
0x3e: {  	_ =	shalt  }
0x3f: {  	_ =	shalt  }
0x40: {  	_ =	shalt  }
0x41: {  	_ =	shalt  }
0x42: {  	_ =	shalt  }
0x43: {  	_ =	shalt  }
0x44: {  	_ =	shalt  }
0x45: {  	_ =	shalt  }
0x46: {  	_ =	shalt  }
0x47: {  	_ =	shalt  }
0x48: {  	_ =	shalt  }
0x49: {  	_ =	shalt  }
0x4a: {  	_ =	shalt  }
0x4b: {  	_ =	shalt  }
0x4c: {  	_ =	shalt  }
0x4d: {  	_ =	shalt  }
0x4e: {  	_ =	shalt  }
0x4f: {  	_ =	shalt  }
0x50: {  	_ =	shalt  }
0x51: {  	_ =	shalt  }
0x52: {  	_ =	shalt  }
0x53: {  	_ =	shalt  }
0x54: {  	_ =	shalt  }
0x55: {  	_ =	shalt  }
0x56: {  	_ =	shalt  }
0x57: {  	_ =	shalt  }
0x58: {  	_ =	shalt  }
0x59: {  	_ =	shalt  }
0x5a: {  	_ =	shalt  }
0x5b: {  	_ =	shalt  }
0x5c: {  	_ =	shalt  }
0x5d: {  	_ =	shalt  }
0x5e: {  	_ =	shalt  }
0x5f: {  	_ =	shalt  }
0x60: {  	_ =	shalt  }
0x61: {  	_ =	shalt  }
0x62: {  	_ =	shalt  }
0x63: {  	_ =	shalt  }
0x64: {  	_ =	shalt  }
0x65: {  	_ =	shalt  }
0x66: {  	_ =	shalt  }
0x67: {  	_ =	shalt  }
0x68: {  	_ =	shalt  }
0x69: {  	_ =	shalt  }
0x6a: {  	_ =	shalt  }
0x6b: {  	_ =	shalt  }
0x6c: {  	_ =	shalt  }
0x6d: {  	_ =	shalt  }
0x6e: {  	_ =	shalt  }
0x6f: {  	_ =	shalt  }
0x70: {  	_ =	shalt  }
0x71: {  	_ =	shalt  }
0x72: {  	_ =	shalt  }
0x73: {  	_ =	shalt  }
0x74: {  	_ =	shalt  }
0x75: {  	_ =	shalt  }
0x76: {  	_ =	shalt  }
0x77: {  	_ =	shalt  }
0x78: {  	_ =	shalt  }
0x79: {  	_ =	shalt  }
0x7a: {  	_ =	shalt  }
0x7b: {  	_ =	shalt  }
0x7c: {  	_ =	shalt  }
0x7d: {  	_ =	shalt  }
0x7e: {  	_ =	shalt  }
0x7f: {  	_ =	shalt  }
0x80: {  	_ =	shalt  }
0x81: {  	_ =	shalt  }
0x82: {  	_ =	shalt  }
0x83: {  	_ =	shalt  }
0x84: {  	_ =	shalt  }
0x85: {  	_ =	shalt  }
0x86: {  	_ =	shalt  }
0x87: {  	_ =	shalt  }
.Lfunc_end0:
.L_simem_size_0:
called_computation.1_lowered:
.L_overlay_start_0:
0x88: {  	s2 =	sld [smem:$0x3FD9]  }
0x89: {  	s3 =	sld [smem:$0x3FFE];
	_ =	sdelay $0x1  }
0x8a: {  	s1 =	srdreg.scid  }
0x8b: {  	s0 =	sand.u32 $0x1, s1  }
0x8c: {  	s16 =	sshll.u32 s0, $0xA;
	s2 =	sadd.s32 s3, s2  }
0x8d: {  	s2 =	sadd.s32 s2, s16  }
0x8e: {  	[smem:$0x3FC0] =	sst s2  }
0x8f: {  	_ = 	snop  }
0x90: {  	(tm) =	ssettm $0x1  }
0x91: {  	s17 =	sld [smem:$0x3FFB];
	_ =	sdelay $0x3  }
0x92: {  	_ =	strace s17  }
0x93: {  	s2 =	sld [smem:$0x3FFC];
	_ =	sdelay $0x3  }
0x94: {  	_ =	strace s2  }
0x95: {  	s2 =	sld [smem:$0x3FFD];
	_ =	sdelay $0x3  }
0x96: {  	_ =	strace s2  }
0x97: {  	_ =	strace $0x8FFFFFFF  }
0x98: {  	s18 =	sld [smem:$0x3FDB];
	_ =	sdelay $0x1  }
0x99: {  	s19 =	simm.s32 $_scs_section_size  }
0x9a: {  	s4 =	simm.s32 $_size__tile_overlayer_lowered;
	s5 =	simm.s32 $_tile_overlayer_lowered  }
0x9b: {  	s22 =	simm.s32 $0x1BFF;
	s21 =	sshll.u32 s5, $0x1;
	s2 =	sadd.s32 s19, s18  }
0x9c: {  	s6 =	simm.s32 $0x0;
	s20 =	sshll.u32 s4, $0x1;
	s4 =	sadd.s32 s21, s2  }
0x9d: {  	[timem:s6], [sflag:s22] =	dma.local [hbm:s4], s20  }
0x9e: {  	_ =	swait.ge [sflag:s22], s20  }
0x9f: {  	s3 =	ssub.s32 $0x0, s20;
	[sflag:s22] =	ssyncset.done $0x0  }
0xa0: {  	[sflag:s22] =	ssyncadd.s32 s3;
	_ =	sdelay $0x1  }
0xa1: {  	s23 =	simm.s32 $0x1B8B  }
0xa2: {  	_ =	swait.ge [sflag:s23], $0x1  }
0xa3: {  	[sflag:s23] =	ssyncset.done $0x0  }
0xa4: {  	s25 =	simm.s32 $0x1B8E;
	s24 =	sld [smem:$0x3FFE];
	[sflag:s23] =	ssyncadd.s32 $0xFFFFFFFF  }
0xa5: {  	s26 =	simm.s32 $execute0_lowered;
	[smem:$0x3FD2] =	sst s25  }
0xa6: {  	s4 =	sshll.u32 s26, $0x1;
	_ =	strace $0x80000049;
	[dreg:$0x1] =	wrdreg $0xFFFFFFFF  }
0xa7: {  	s28 =	simm.s32 $_size_execute0_lowered;
	s2 =	sadd.s32 s2, s4;
	[dreg:$0x0] =	wrdreg $0x0  }
0xa8: {  	s4 =	sshll.u32 s28, $0x1;
	[dreg:$0x2] =	wrdreg s2  }
0xa9: {  	[dreg:$0x3] =	wrdreg s4  }
0xaa: {  	[dreg:$0x4] =	wrdreg $0xC0  }
0xab: {  	_ =	task [dreg:s6], $0x5FFFF  }
0xac: {  	[dreg:$0x1] =	wrdreg $0xFFFFFFFF  }
0xad: {  	[dreg:$0x0] =	wrdreg $0x60  }
0xae: {  	[dreg:$0x2] =	wrdreg s24  }
0xaf: {  	[dreg:$0x3] =	wrdreg $0xA8000  }
0xb0: {  	[dreg:$0x4] =	wrdreg $0x9  }
0xb1: {  	_ =	task.clear_ibuf [dreg:s6], $0x5FFFF;
	_ =	strace $0x90000049  }
0xb2: {  	s29 =	simm.s32 $0x9;
	_ =	strace $0x8000004B  }
0xb3: {  	_ =	swait.ge [sflag:s29], $0x1  }
0xb4: {  	[sflag:s29] =	ssyncadd.s32 $0xFFFFFFFF  }
0xb5: {  	_ =	strace $0x9000004B  }
0xb6: {  	_ =	sfence  }
0xb7: {  	s30 =	sld [smem:$0x0];
	_ =	sdelay $0x2  }
0xb8: {  	s31 =	sshll.u32 s1, $0xD;
	s1 =	sshrl.u32 s1, $0x2  }
0xb9: {  	s3 =	sand.u32 $0x4000, s31;
	s1 =	sadd.s32 s1, s30  }
0xba: {  	s0 =	sor.u32 s3, s0;
	s1 =	sshll.u32 s1, $0x11  }
0xbb: {  	s0 =	sor.u32 s1, s0  }
0xbc: {  	s0 =	sadd.s32 $0x8F2B, s0  }
0xbd: {  	[sflag:s0] =	ssyncadd.remote.s32 $0x1  }
0xbe: {  	_ =	sfence.sel $0xFFFF  }
0xbf: {  	[dreg:$0x0] =	wrdreg $0xFFFFFFFF;
	(pc) =	sbr.abs _section_cstart, $3  }
0xc0: {  	[dreg:$0x1] =	wrdreg $0xFFFFFFFF  }
0xc1: {  	_ =	task.clear_ibuf [dreg:s6], $0x2FFFF;
	_ =	strace $0x9FFFFFFF  }
0xc2: {  	(tm) =	ssettm $0x7FFFFFFF  }
0xc3: {  	_ =	shalt  }
tec
execute0_lowered:
.L_overlay_start_1:
0x0: {  	(tag) =	ssettag $0x1  }
0x1: {  	s0 =	srdreg.scid;
	s6 =	rddreg [dreg:$0x0]  }
0x2: {  	s2 =	rddreg [dreg:$0x1];
	s3 =	simm.s32 $0x0;
	s14 =	simm.s32 $0x80  }
0x3: {  	s15 =	simm.s32 $0x2800;
	s16 =	simm.s32 $0x6800;
	s17 =	simm.s32 $0x1  }
0x4: {  	s18 =	simm.s32 $0x2;
	s19 =	simm.s32 $0x1380;
	s20 =	simm.s32 $0x2700  }
0x5: {  	s21 =	simm.s32 $0x2780;
	s5 =	sand.u32 $0x1, s0;
	s0 =	stileid.u32  }
0x6: {  	s22 =	simm.s32 $0x0;
	[smem:$0x7FF] =	sst s3;
	s7 =	smul.u32 $0x13C000, s5  }
0x7: {  	s1 =	sshll.u32 s5, $0x4;
	s8 =	smul.u32 $0x13C00, s0;
	s28 =	ssub.s32 $0x2, s5  }
0x8: {  	s10 =	smul.u32 $0x4F000, s0;
	s5 =	sadd.s32 $0x7800, s6;
	s1 =	sor.u32 s0, s1  }
0x9: {  	s31 =	sshll.u32 s0, $0x6;
	s29 =	sshrl.u32 s28, $0x1;
	s4 =	smul.u32 $0x280, s1  }
0xa: {  	s1 =	rddreg [dreg:$0x2];
	_ =	strace $0x8000004A;
	s7 =	sadd.s32 s8, s7  }
0xb: {  	s12 =	ssub.s32 s28, s29;
	s30 =	sshrl.u32 s10, $0x2;
	s10 =	simm.s32 $0x3  }
0xc: {  	s7 =	sshrl.u32 s7, $0x3;
	s13 =	sadd.s32 s30, s2;
	s9 =	sadd.s32 s4, s6  }
0xd: {  	s4 =	sadd.s32 $0xA000, s6;
	s11 =	sadd.s32 s7, s6;
	s13 =	sshrl.u32 s13, $0x3  }
0xe: {  	s6 =	sadd.s32 $0x59000, s9;
	s7 =	sadd.s32 $0x2000, s9;
	s8 =	sadd.s32 $0x5E000, s11  }
0xf: {  	s9 =	smax.u32 s12, $0x1;
	s11 =	simm.s32 $0x1400;
	s12 =	sor.u32 $0x1C03, s31  }
.LBB2_1:
0x10: {  	[tilespmem:s3], [sflag:$0x3] =	stream.linear.gather [hbm4b:s6+s3], $0x1400, $0x38;
	[tilespmem:$0x1E400] =	vst v63  }
0x11: {  	_ =	swait.ge [sflag:s10], $0x1400  }
0x12: {  	[sflag:s10] =	ssyncset.done $0x0  }
0x13: {  	[sflag:s10] =	ssyncadd.s32 $0xFFFFEC00  }
0x14: {  	[tilespmem:s11], [sflag:$0x3] =	stream.linear.gather [hbm4b:s7+s3], $0x1400, $0x38;
	[tilespmem:$0x1E400] =	vst v63  }
0x15: {  	_ =	swait.ge [sflag:s10], $0x1400  }
0x16: {  	[sflag:s10] =	ssyncset.done $0x0  }
0x17: {  	[sflag:s10] =	ssyncadd.s32 $0xFFFFEC00  }
0x18: {  	[spmem:s13], [sflag:s12] =	dma.local [hbm:s5], $0x2780  }
0x19: {  	_ =	swait.ge [sflag:s10], $0x2780  }
0x1a: {  	[sflag:s10] =	ssyncset.done $0x0  }
0x1b: {  	[sflag:s10] =	ssyncadd.s32 $0xFFFFD880  }
0x1c: {  	[bflag:$0x0] =	sbarrier.arrive $0xFFFF  }
0x1d: {  	[tilespmem:s15], [sflag:$0x1] =	stream.indirect.gather [hbm4b:s4+s14], $0x80, s3, s14, $0xb8;
	[tilespmem:$0x1E400] =	vst v63  }
0x1e: {  	s23 =	simm.s32 $0x80  }
0x1f: {  	[tilespmem:s16], [sflag:$0x2] =	stream.indirect.gather [hbm4b:s4+s14], $0x80, s23, s14, $0xb8;
	[tilespmem:$0x1E400] =	vst v63  }
0x20: {  	_ =	swait.ge [sflag:s17], $0x4000  }
0x21: {  	[sflag:s17] =	ssyncset.done $0x0  }
0x22: {  	s29 =	simm.s32 $0x1400;
	[sflag:s17] =	ssyncadd.s32 $0xFFFFC000  }
0x23: {  	[spmem:s2] =	stream.indirect.scatter.add.f32 [tilespmem:s15], [sflag:$0x3], $0x80, s29, s14, $0xb8;
	[tilespmem:$0x1E400] =	vst v63  }
0x24: {  	_ =	swait.ge [sflag:s10], $0x4000  }
0x25: {  	[sflag:s10] =	ssyncset.done $0x0  }
0x26: {  	s30 =	simm.s32 $0x100;
	[sflag:s10] =	ssyncadd.s32 $0xFFFFC000  }
0x27: {  	[tilespmem:s15], [sflag:$0x1] =	stream.indirect.gather [hbm4b:s4+s14], $0x80, s30, s14, $0xb8;
	[tilespmem:$0x1E400] =	vst v63  }
0x28: {  	_ =	swait.ge [sflag:s18], $0x4000  }
0x29: {  	[sflag:s18] =	ssyncset.done $0x0  }
0x2a: {  	s31 =	simm.s32 $0x1480;
	[sflag:s18] =	ssyncadd.s32 $0xFFFFC000  }
0x2b: {  	[spmem:s2] =	stream.indirect.scatter.add.f32 [tilespmem:s16], [sflag:$0x3], $0x80, s31, s14, $0xb8;
	[tilespmem:$0x1E400] =	vst v63  }
0x2c: {  	_ =	swait.ge [sflag:s10], $0x4000  }
0x2d: {  	s24 =	simm.s32 $0x800;
	s23 =	simm.s32 $0x100;
	[sflag:s10] =	ssyncset.done $0x0  }
.LBB2_2:
0x2e: {  	s25 =	sadd.s32 $0x80, s23  }
0x2f: {  	[sflag:s10] =	ssyncadd.s32 $0xFFFFC000;
	s26 =	smov.u32 s24;
	s28 =	sadd.s32 $0x400, s24  }
0x30: {  	[tilespmem:s16], [sflag:$0x2] =	stream.indirect.gather [hbm4b:s4+s14], $0x80, s25, s14, $0xb8;
	[tilespmem:$0x1E400] =	vst v63  }
0x31: {  	p0 =	sne.s32 s24, $0x4800;
	_ =	swait.ge [sflag:s17], $0x4000  }
0x32: {  	[sflag:s17] =	ssyncset.done $0x0  }
0x33: {  	s24 =	sadd.s32 $0x1400, s23;
	[sflag:s17] =	ssyncadd.s32 $0xFFFFC000  }
0x34: {  	[spmem:s2] =	stream.indirect.scatter.add.f32 [tilespmem:s15], [sflag:$0x3], $0x80, s24, s14, $0xb8;
	[tilespmem:$0x1E400] =	vst v63  }
0x35: {  	_ =	swait.ge [sflag:s10], $0x4000  }
0x36: {  	[sflag:s10] =	ssyncset.done $0x0  }
0x37: {  	s24 =	sadd.s32 $0x100, s23;
	[sflag:s10] =	ssyncadd.s32 $0xFFFFC000  }
0x38: {  	[tilespmem:s15], [sflag:$0x1] =	stream.indirect.gather [hbm4b:s4+s14], $0x80, s24, s14, $0xb8;
	[tilespmem:$0x1E400] =	vst v63  }
0x39: {  	_ =	swait.ge [sflag:s18], $0x4000  }
.Ltmp0:
0x3a: {  	[sflag:s18] =	ssyncset.done $0x0;
	(pc) =	sbr.rel @p0 .LBB2_2-.Ltmp0, $4  }
0x3b: {  	s23 =	sadd.s32 $0x1480, s23;
	[sflag:s18] =	ssyncadd.s32 $0xFFFFC000  }
0x3c: {  	[spmem:s2] =	stream.indirect.scatter.add.f32 [tilespmem:s16], [sflag:$0x3], $0x80, s23, s14, $0xb8;
	[tilespmem:$0x1E400] =	vst v63  }
0x3d: {  	_ =	swait.ge [sflag:s10], $0x4000  }
0x3e: {  	s24 =	smov.u32 s28;
	s23 =	sshra.s32 s26, $0x2;
	[sflag:s10] =	ssyncset.done $0x0  }
0x3f: {  	s24 =	sadd.s32 $0x80, s23;
	[sflag:s10] =	ssyncadd.s32 $0xFFFFC000  }
0x40: {  	[tilespmem:s16], [sflag:$0x2] =	stream.indirect.gather [hbm4b:s4+s14], $0x80, s24, s14, $0xb8;
	[tilespmem:$0x1E400] =	vst v63  }
0x41: {  	_ =	swait.ge [sflag:s17], $0x4000  }
0x42: {  	[sflag:s17] =	ssyncset.done $0x0  }
0x43: {  	s29 =	sadd.s32 $0x1400, s23;
	[sflag:s17] =	ssyncadd.s32 $0xFFFFC000  }
0x44: {  	[spmem:s2] =	stream.indirect.scatter.add.f32 [tilespmem:s15], [sflag:$0x3], $0x80, s29, s14, $0xb8;
	[tilespmem:$0x1E400] =	vst v63  }
0x45: {  	_ =	swait.ge [sflag:s10], $0x4000  }
0x46: {  	[sflag:s10] =	ssyncset.done $0x0  }
0x47: {  	s30 =	sadd.s32 $0x100, s23;
	[sflag:s10] =	ssyncadd.s32 $0xFFFFC000  }
0x48: {  	[tilespmem:s15], [sflag:$0x1] =	stream.indirect.gather [hbm4b:s4+s14], $0x80, s30, s14, $0xb8;
	[tilespmem:$0x1E400] =	vst v63  }
0x49: {  	_ =	swait.ge [sflag:s18], $0x4000  }
0x4a: {  	[sflag:s18] =	ssyncset.done $0x0  }
0x4b: {  	s31 =	sadd.s32 $0x1480, s23;
	[sflag:s18] =	ssyncadd.s32 $0xFFFFC000  }
0x4c: {  	[spmem:s2] =	stream.indirect.scatter.add.f32 [tilespmem:s16], [sflag:$0x3], $0x80, s31, s14, $0xb8;
	[tilespmem:$0x1E400] =	vst v63  }
0x4d: {  	_ =	swait.ge [sflag:s10], $0x4000  }
0x4e: {  	[sflag:s10] =	ssyncset.done $0x0  }
0x4f: {  	[sflag:s10] =	ssyncadd.s32 $0xFFFFC000  }
0x50: {  	[tilespmem:s16], [sflag:$0x2] =	stream.indirect.gather [hbm4b:s4+s14], $0x80, s19, s14, $0xb8;
	[tilespmem:$0x1E400] =	vst v63  }
0x51: {  	_ =	swait.ge [sflag:s17], $0x4000  }
0x52: {  	[sflag:s17] =	ssyncset.done $0x0  }
0x53: {  	[sflag:s17] =	ssyncadd.s32 $0xFFFFC000  }
0x54: {  	[spmem:s2] =	stream.indirect.scatter.add.f32 [tilespmem:s15], [sflag:$0x3], $0x80, s20, s14, $0xb8;
	[tilespmem:$0x1E400] =	vst v63  }
0x55: {  	_ =	swait.ge [sflag:s10], $0x4000  }
0x56: {  	[sflag:s10] =	ssyncset.done $0x0  }
0x57: {  	[sflag:s10] =	ssyncadd.s32 $0xFFFFC000  }
0x58: {  	_ =	swait.ge [sflag:s18], $0x4000  }
0x59: {  	[sflag:s18] =	ssyncset.done $0x0  }
0x5a: {  	[sflag:s18] =	ssyncadd.s32 $0xFFFFC000  }
0x5b: {  	[spmem:s2] =	stream.indirect.scatter.add.f32 [tilespmem:s16], [sflag:$0x3], $0x80, s21, s14, $0xb8;
	[tilespmem:$0x1E400] =	vst v63  }
0x5c: {  	_ =	swait.ge [sflag:s10], $0x4000  }
0x5d: {  	s22 =	sadd.s32 $0x1, s22;
	[sflag:s10] =	ssyncset.done $0x0  }
0x5e: {  	p0 =	sne.s32 s22, s9;
	[sflag:s10] =	ssyncadd.s32 $0xFFFFC000  }
.Ltmp1:
0x5f: {  	[bflag:$0x0] =	sbarrier.arrive $0xFFFF;
	(pc) =	sbr.rel @p0 .LBB2_1-.Ltmp1, $4  }
0x60: {  	[hbm:s8], [sflag:s12] =	dma.local [spmem:s13], $0x2780  }
0x61: {  	_ =	swait.ge [sflag:s10], $0x2780  }
0x62: {  	[sflag:s10] =	ssyncset.done $0x0  }
0x63: {  	[sflag:s10] =	ssyncadd.s32 $0xFFFFD880  }
0x64: {  	_ =	sfence.sel $0x180000  }
0x65: {  	[bflag:$0x0] =	sbarrier.arrive $0xFFFF  }
0x66: {  	p0 =	sne.s32 s0, $0x0;
	_ =	strace $0x9000004A  }
0x67: {  	s0 =	sadd.s32 @!p0 $0x100000, s1;
	[bflag:$0x2] =	sbarrier.arrive $0xFFFF  }
0x68: {  	[sflag:s0] =	ssyncadd.tile.s32 @!p0 $0x1;
	_ =	shalt  }
.Lfunc_end2:
_tile_overlayer_lowered:
.L_overlay_start_2:
0x69: {  	(tag) =	ssettag $0x2  }
0x6a: {  	s0 =	rddreg [dreg:$0x0];
	s2 =	stileid.u32  }
0x6b: {  	s1 =	rddreg [dreg:$0x1];
	p0 =	sne.s32 s2, $0x0  }
0x6c: {  	s3 =	rddreg [dreg:$0x2];
	[bflag:$0x3] =	sbarrier.arrive $0xFFFF;
	s2 =	simm.s32 @!p0 $0x1C03  }
0x6d: {  	[timem:s3], [sflag:s2] =	dma.local @!p0 [hbm:s0], s1  }
0x6e: {  	s0 =	simm.s32 @!p0 $0x3  }
0x6f: {  	_ =	swait.ge @!p0 [sflag:s0], s1  }
0x70: {  	s1 =	ssub.s32 @!p0 $0x0, s1;
	[sflag:s0] =	ssyncset.done @!p0 $0x0  }
0x71: {  	[sflag:s0] =	ssyncadd.s32 @!p0 s1  }
0x72: {  	[bflag:$0x3] =	sbarrier.arrive $0xFFFF  }
0x73: {  	_ =	shalt  }

// kernel: kernel.7.cloned.1.call-start
scs
__scs_entry_jumppad:
0x0: {  	(pc) =	sbr.rel $0x88, $3  }
0x1: {  	(tag) =	ssettag $0x0;
	lr =	simm.s32 $0x1  }
0x2: {  	[smem:$0x3F99] =	sst lr;
	_ =	strace $0xD0000000  }
0x3: {  	_ = 	snop  }
0x4: {  	_ = 	snop  }
0x5: {  	_ = 	snop  }
0x6: {  	_ = 	snop  }
0x7: {  	_ = 	snop  }
__scs_overlays_trampoline_lowered:
0x8: {  	[smem:$0x3FA8] =	sst s0  }
0x9: {  	[smem:$0x3FA9] =	sst s1  }
0xa: {  	[smem:$0x3FAA] =	sst s2  }
0xb: {  	[smem:$0x3FAB] =	sst s3  }
0xc: {  	[smem:$0x3FAC] =	sst s4  }
0xd: {  	[smem:$0x3FAD] =	sst s5  }
0xe: {  	[smem:$0x3FAE] =	sst s6  }
0xf: {  	[smem:$0x3FAF] =	sst s7  }
0x10: {  	[smem:$0x3FB0] =	sst s8  }
0x11: {  	[smem:$0x3FB1] =	sst s9;
	s0 =	simm.s32 @!p0 $0x0  }
0x12: {  	s1 =	sld [smem:$0x3F97];
	s0 =	simm.s32 @p0 $0x1  }
0x13: {  	[smem:$0x3FB2] =	sst s0;
	s0 =	simm.s32 @!p1 $0x0  }
0x14: {  	s2 =	sld [smem:$0x3F96];
	s0 =	simm.s32 @p1 $0x1  }
0x15: {  	[smem:$0x3FB3] =	sst s0;
	s0 =	simm.s32 @!p2 $0x0  }
0x16: {  	s3 =	sld [smem:$0x3FDB];
	s0 =	simm.s32 @p2 $0x1  }
0x17: {  	s4 =	simm.s32 $0x1BF5;
	[smem:$0x3FB5] =	sst s0  }
0x18: {  	s0 =	sld [smem:$0x3F98];
	_ =	swait.ge [sflag:s4], $0x0  }
0x19: {  	s7 =	sld [smem:$0x3F99]  }
0x1a: {  	s8 =	sadd.s32 $0xFFFFE003, lr  }
0x1b: {  	s9 =	sadd.s32 $0xFFFFFEF7, lr;
	s5 =	simm.s32 $0xFFFFFFFF;
	p2 =	slt.u32 s8, $0xFFFFF086  }
0x1c: {  	p1 =	slt.u32 s9, $0xF7A;
	s5 =	simm.s32 @!p2 $0x0  }
0x1d: {  	s5 =	simm.s32 @p1 $0x1;
	p0 =	seq.s32 s7, s2  }
0x1e: {  	s7 =	smul.u32 @!p0 $0xF7A, s2;
	p2 =	seq.s32 @!p0 s5, $0x0  }
0x1f: {  	s9 =	smul.u32 $0xF7A, s1;
	s8 =	simm.s32 @!p0 $0x1BF5;
	p2 =	por !p2, p0  }
0x20: {  	[sflag:s8] =	ssyncset.s32 @!p0 $0xFFFFF086;
	s6 =	sadd.s32 @!p0 s3, s7;
	s7 =	simm.s32 @!p0 $0x108  }
0x21: {  	s3 =	sadd.s32 s3, s9;
	s6 =	sadd.s32 @!p0 $0x88, s6;
	s7 =	simm.s32 @p2 $0x1082  }
0x22: {  	[simem:s7], [sflag:s8] =	dma.local @!p0 [hbm:s6], $0xF7A  }
0x23: {  	s9 =	sor.u32 $0xD0000000, s2;
	s6 =	simm.s32 $0x108;
	_ =	swait.ge @!p0 [sflag:s8], $0x0  }
0x24: {  	s3 =	sadd.s32 $0x88, s3;
	s6 =	simm.s32 @!p1 $0x1082;
	[sflag:s4] =	ssyncset.s32 $0xFFFFF086  }
0x25: {  	[simem:s6], [sflag:s4] =	dma.local [hbm:s3], $0xF7A  }
0x26: {  	[smem:$0x3F99] =	sst s1;
	(tag) =	ssettag s2;
	_ =	strace s9  }
0x27: {  	s1 =	sld [smem:$0x3FA9]  }
0x28: {  	s2 =	sld [smem:$0x3FAA]  }
0x29: {  	s4 =	sld [smem:$0x3FAC]  }
0x2a: {  	p0 =	seq.s32 s5, $0x0;
	s5 =	sld [smem:$0x3FAD]  }
0x2b: {  	s6 =	sld [smem:$0x3FAE]  }
0x2c: {  	s7 =	sld [smem:$0x3FAF]  }
0x2d: {  	s3 =	simm.s32 $0x108;
	s8 =	sld [smem:$0x3FB0]  }
0x2e: {  	s3 =	simm.s32 @!p0 $0x1082;
	s9 =	sld [smem:$0x3FB1]  }
0x2f: {  	lr =	sadd.s32 s0, s3;
	s0 =	sld [smem:$0x3FA8]  }
0x30: {  	s3 =	sld [smem:$0x3FAB]  }
0x31: {  	[smem:$0x3FB4] =	sst s10  }
0x32: {  	s10 =	sld [smem:$0x3FB2];
	_ =	sdelay $0x3  }
0x33: {  	p0 =	seq.s32 s10, $0x1;
	s10 =	sld [smem:$0x3FB4];
	_ =	sdelay $0x3  }
0x34: {  	[smem:$0x3FB4] =	sst s10  }
0x35: {  	s10 =	sld [smem:$0x3FB3];
	_ =	sdelay $0x3  }
0x36: {  	p1 =	seq.s32 s10, $0x1;
	s10 =	sld [smem:$0x3FB4];
	_ =	sdelay $0x3  }
0x37: {  	[smem:$0x3FB4] =	sst s10  }
0x38: {  	s10 =	sld [smem:$0x3FB5]  }
0x39: {  	_ = 	snop;
	(pc) =	sbr.ind lr, $3  }
0x3a: {  	_ = 	snop  }
0x3b: {  	_ = 	snop  }
0x3c: {  	p2 =	seq.s32 s10, $0x1;
	s10 =	sld [smem:$0x3FB4]  }
0x3d: {  	_ =	shalt  }
0x3e: {  	_ =	shalt  }
0x3f: {  	_ =	shalt  }
0x40: {  	_ =	shalt  }
0x41: {  	_ =	shalt  }
0x42: {  	_ =	shalt  }
0x43: {  	_ =	shalt  }
0x44: {  	_ =	shalt  }
0x45: {  	_ =	shalt  }
0x46: {  	_ =	shalt  }
0x47: {  	_ =	shalt  }
0x48: {  	_ =	shalt  }
0x49: {  	_ =	shalt  }
0x4a: {  	_ =	shalt  }
0x4b: {  	_ =	shalt  }
0x4c: {  	_ =	shalt  }
0x4d: {  	_ =	shalt  }
0x4e: {  	_ =	shalt  }
0x4f: {  	_ =	shalt  }
0x50: {  	_ =	shalt  }
0x51: {  	_ =	shalt  }
0x52: {  	_ =	shalt  }
0x53: {  	_ =	shalt  }
0x54: {  	_ =	shalt  }
0x55: {  	_ =	shalt  }
0x56: {  	_ =	shalt  }
0x57: {  	_ =	shalt  }
0x58: {  	_ =	shalt  }
0x59: {  	_ =	shalt  }
0x5a: {  	_ =	shalt  }
0x5b: {  	_ =	shalt  }
0x5c: {  	_ =	shalt  }
0x5d: {  	_ =	shalt  }
0x5e: {  	_ =	shalt  }
0x5f: {  	_ =	shalt  }
0x60: {  	_ =	shalt  }
0x61: {  	_ =	shalt  }
0x62: {  	_ =	shalt  }
0x63: {  	_ =	shalt  }
0x64: {  	_ =	shalt  }
0x65: {  	_ =	shalt  }
0x66: {  	_ =	shalt  }
0x67: {  	_ =	shalt  }
0x68: {  	_ =	shalt  }
0x69: {  	_ =	shalt  }
0x6a: {  	_ =	shalt  }
0x6b: {  	_ =	shalt  }
0x6c: {  	_ =	shalt  }
0x6d: {  	_ =	shalt  }
0x6e: {  	_ =	shalt  }
0x6f: {  	_ =	shalt  }
0x70: {  	_ =	shalt  }
0x71: {  	_ =	shalt  }
0x72: {  	_ =	shalt  }
0x73: {  	_ =	shalt  }
0x74: {  	_ =	shalt  }
0x75: {  	_ =	shalt  }
0x76: {  	_ =	shalt  }
0x77: {  	_ =	shalt  }
0x78: {  	_ =	shalt  }
0x79: {  	_ =	shalt  }
0x7a: {  	_ =	shalt  }
0x7b: {  	_ =	shalt  }
0x7c: {  	_ =	shalt  }
0x7d: {  	_ =	shalt  }
0x7e: {  	_ =	shalt  }
0x7f: {  	_ =	shalt  }
0x80: {  	_ =	shalt  }
0x81: {  	_ =	shalt  }
0x82: {  	_ =	shalt  }
0x83: {  	_ =	shalt  }
0x84: {  	_ =	shalt  }
0x85: {  	_ =	shalt  }
0x86: {  	_ =	shalt  }
0x87: {  	_ =	shalt  }
.Lfunc_end0:
.L_simem_size_0:
called_computation_lowered:
.L_overlay_start_0:
0x88: {  	s2 =	sld [smem:$0x3FD9]  }
0x89: {  	s3 =	sld [smem:$0x3FFE];
	_ =	sdelay $0x1  }
0x8a: {  	s1 =	srdreg.scid  }
0x8b: {  	s0 =	sand.u32 $0x1, s1  }
0x8c: {  	s16 =	sshll.u32 s0, $0xA;
	s2 =	sadd.s32 s3, s2  }
0x8d: {  	s2 =	sadd.s32 s2, s16  }
0x8e: {  	[smem:$0x3FC0] =	sst s2  }
0x8f: {  	_ = 	snop  }
0x90: {  	(tm) =	ssettm $0x1  }
0x91: {  	s17 =	sld [smem:$0x3FFB];
	_ =	sdelay $0x3  }
0x92: {  	_ =	strace s17  }
0x93: {  	s2 =	sld [smem:$0x3FFC];
	_ =	sdelay $0x3  }
0x94: {  	_ =	strace s2  }
0x95: {  	s2 =	sld [smem:$0x3FFD];
	_ =	sdelay $0x3  }
0x96: {  	_ =	strace s2  }
0x97: {  	_ =	strace $0x8FFFFFFF  }
0x98: {  	s18 =	sld [smem:$0x3FDB];
	_ =	sdelay $0x1  }
0x99: {  	s19 =	simm.s32 $_scs_section_size  }
0x9a: {  	s4 =	simm.s32 $_size__tile_overlayer_lowered;
	s5 =	simm.s32 $_tile_overlayer_lowered  }
0x9b: {  	s22 =	simm.s32 $0x1BFF;
	s21 =	sshll.u32 s5, $0x1;
	s2 =	sadd.s32 s19, s18  }
0x9c: {  	s6 =	simm.s32 $0x0;
	s20 =	sshll.u32 s4, $0x1;
	s4 =	sadd.s32 s21, s2  }
0x9d: {  	[timem:s6], [sflag:s22] =	dma.local [hbm:s4], s20  }
0x9e: {  	_ =	swait.ge [sflag:s22], s20  }
0x9f: {  	s3 =	ssub.s32 $0x0, s20;
	[sflag:s22] =	ssyncset.done $0x0  }
0xa0: {  	[sflag:s22] =	ssyncadd.s32 s3;
	_ =	sdelay $0x1  }
0xa1: {  	s23 =	simm.s32 $0x1B8B  }
0xa2: {  	_ =	swait.ge [sflag:s23], $0x1  }
0xa3: {  	[sflag:s23] =	ssyncset.done $0x0  }
0xa4: {  	s25 =	simm.s32 $0x1B8E;
	s24 =	sld [smem:$0x3FFE];
	[sflag:s23] =	ssyncadd.s32 $0xFFFFFFFF  }
0xa5: {  	s26 =	simm.s32 $execute0_lowered;
	[smem:$0x3FD2] =	sst s25  }
0xa6: {  	s4 =	sshll.u32 s26, $0x1;
	_ =	strace $0x80000046;
	[dreg:$0x1] =	wrdreg $0xFFFFFFFF  }
0xa7: {  	s28 =	simm.s32 $_size_execute0_lowered;
	s2 =	sadd.s32 s2, s4;
	[dreg:$0x0] =	wrdreg $0x0  }
0xa8: {  	s4 =	sshll.u32 s28, $0x1;
	[dreg:$0x2] =	wrdreg s2  }
0xa9: {  	[dreg:$0x3] =	wrdreg s4  }
0xaa: {  	[dreg:$0x4] =	wrdreg $0xC0  }
0xab: {  	_ =	task [dreg:s6], $0x5FFFF  }
0xac: {  	[dreg:$0x1] =	wrdreg $0xFFFFFFFF  }
0xad: {  	[dreg:$0x0] =	wrdreg $0x60  }
0xae: {  	[dreg:$0x2] =	wrdreg s24  }
0xaf: {  	[dreg:$0x3] =	wrdreg $0x54000  }
0xb0: {  	[dreg:$0x4] =	wrdreg $0x9  }
0xb1: {  	_ =	task.clear_ibuf [dreg:s6], $0x5FFFF;
	_ =	strace $0x90000046  }
0xb2: {  	s29 =	simm.s32 $0x9;
	_ =	strace $0x80000048  }
0xb3: {  	_ =	swait.ge [sflag:s29], $0x1  }
0xb4: {  	[sflag:s29] =	ssyncadd.s32 $0xFFFFFFFF  }
0xb5: {  	_ =	strace $0x90000048  }
0xb6: {  	_ =	sfence  }
0xb7: {  	s30 =	sld [smem:$0x0];
	_ =	sdelay $0x2  }
0xb8: {  	s31 =	sshll.u32 s1, $0xD;
	s1 =	sshrl.u32 s1, $0x2  }
0xb9: {  	s3 =	sand.u32 $0x4000, s31;
	s1 =	sadd.s32 s1, s30  }
0xba: {  	s0 =	sor.u32 s3, s0;
	s1 =	sshll.u32 s1, $0x11  }
0xbb: {  	s0 =	sor.u32 s1, s0  }
0xbc: {  	s0 =	sadd.s32 $0x8F2B, s0  }
0xbd: {  	[sflag:s0] =	ssyncadd.remote.s32 $0x1  }
0xbe: {  	_ =	sfence.sel $0xFFFF  }
0xbf: {  	[dreg:$0x0] =	wrdreg $0xFFFFFFFF;
	(pc) =	sbr.abs _section_cstart, $3  }
0xc0: {  	[dreg:$0x1] =	wrdreg $0xFFFFFFFF  }
0xc1: {  	_ =	task.clear_ibuf [dreg:s6], $0x2FFFF;
	_ =	strace $0x9FFFFFFF  }
0xc2: {  	(tm) =	ssettm $0x7FFFFFFF  }
0xc3: {  	_ =	shalt  }
tec
execute0_lowered:
.L_overlay_start_1:
0x0: {  	(tag) =	ssettag $0x1  }
0x1: {  	s7 =	rddreg [dreg:$0x0]  }
0x2: {  	s0 =	srdreg.scid;
	s2 =	rddreg [dreg:$0x1]  }
0x3: {  	s3 =	simm.s32 $0x0;
	s13 =	simm.s32 $0x80;
	s6 =	sand.u32 $0x1, s0  }
0x4: {  	s14 =	simm.s32 $0x0;
	s0 =	stileid.u32;
	s5 =	smul.u32 $0x13C000, s6  }
0x5: {  	[smem:$0x7FF] =	sst s3;
	s1 =	sshll.u32 s6, $0x4;
	s8 =	smul.u32 $0x13C00, s0  }
0x6: {  	s10 =	smul.u32 $0x4F000, s0;
	s6 =	ssub.s32 $0x2, s6;
	s11 =	sshll.u32 s0, $0x6  }
0x7: {  	s1 =	sor.u32 s0, s1;
	s31 =	sshrl.u32 s6, $0x1;
	s11 =	sor.u32 $0x1C01, s11  }
0x8: {  	s4 =	smul.u32 $0x280, s1;
	s1 =	rddreg [dreg:$0x2];
	_ =	strace $0x80000047  }
0x9: {  	s8 =	sadd.s32 s8, s5;
	s5 =	sadd.s32 $0x7800, s7;
	s10 =	sshrl.u32 s10, $0x2  }
0xa: {  	s8 =	sshrl.u32 s8, $0x3;
	s12 =	sadd.s32 s10, s2;
	s10 =	simm.s32 $0x1400  }
0xb: {  	s9 =	sadd.s32 s4, s7;
	s4 =	sadd.s32 $0x7000, s7;
	s7 =	sadd.s32 s8, s7  }
0xc: {  	s8 =	ssub.s32 s6, s31;
	s12 =	sshrl.u32 s12, $0x3;
	s6 =	sadd.s32 $0x2000, s9  }
0xd: {  	s7 =	sadd.s32 $0xA000, s7;
	s8 =	smax.u32 s8, $0x1;
	s9 =	simm.s32 $0x1  }
.LBB2_1:
0xe: {  	[tilespmem:s3], [sflag:$0x1] =	stream.linear.gather [hbm4b:s6+s3], $0x1400, $0x38;
	[tilespmem:$0x19000] =	vst v63  }
0xf: {  	_ =	swait.ge [sflag:s9], $0x1400  }
0x10: {  	[sflag:s9] =	ssyncset.done $0x0  }
0x11: {  	[sflag:s9] =	ssyncadd.s32 $0xFFFFEC00  }
0x12: {  	[tilespmem:s10], [sflag:$0x1] =	stream.linear.gather [hbm4b:s4+s3], $0x4000, $0x38;
	[tilespmem:$0x19000] =	vst v63  }
0x13: {  	_ =	swait.ge [sflag:s9], $0x4000  }
0x14: {  	[sflag:s9] =	ssyncset.done $0x0  }
0x15: {  	[sflag:s9] =	ssyncadd.s32 $0xFFFFC000  }
0x16: {  	[spmem:s12], [sflag:s11] =	dma.local [hbm:s5], $0x2780  }
0x17: {  	_ =	swait.ge [sflag:s9], $0x2780  }
0x18: {  	[sflag:s9] =	ssyncset.done $0x0  }
0x19: {  	[sflag:s9] =	ssyncadd.s32 $0xFFFFD880  }
0x1a: {  	s15 =	simm.s32 $0x0;
	[bflag:$0x0] =	sbarrier.arrive $0xFFFF  }
0x1b: {  	[spmem:s2] =	stream.indirect.scatter.add.f32 [tilespmem:s10], [sflag:$0x1], $0x80, s15, s13, $0xb8;
	[tilespmem:$0x19000] =	vst v63  }
0x1c: {  	_ =	swait.ge [sflag:s9], $0x4000  }
0x1d: {  	s15 =	simm.s32 $0x200;
	[sflag:s9] =	ssyncset.done $0x0  }
.LBB2_2:
0x1e: {  	s16 =	sshra.s32 s15, $0x2;
	[sflag:s9] =	ssyncadd.s32 $0xFFFFC000;
	p0 =	sne.s32 s15, $0x4E00  }
0x1f: {  	[spmem:s2] =	stream.indirect.scatter.add.f32 [tilespmem:s10], [sflag:$0x1], $0x80, s16, s13, $0xb8;
	[tilespmem:$0x19000] =	vst v63  }
.Ltmp0:
0x20: {  	_ = 	snop;
	(pc) =	sbr.rel @p0 .LBB2_2-.Ltmp0, $4  }
0x21: {  	_ = 	snop  }
0x22: {  	s15 =	sadd.s32 $0x200, s15  }
0x23: {  	_ =	swait.ge [sflag:s9], $0x4000  }
0x24: {  	[sflag:s9] =	ssyncset.done $0x0  }
0x25: {  	s14 =	sadd.s32 $0x1, s14  }
0x26: {  	[sflag:s9] =	ssyncadd.s32 $0xFFFFC000;
	p0 =	sne.s32 s14, s8  }
.Ltmp1:
0x27: {  	[bflag:$0x0] =	sbarrier.arrive $0xFFFF;
	(pc) =	sbr.rel @p0 .LBB2_1-.Ltmp1, $4  }
0x28: {  	[hbm:s7], [sflag:s11] =	dma.local [spmem:s12], $0x2780  }
0x29: {  	_ =	swait.ge [sflag:s9], $0x2780  }
0x2a: {  	[sflag:s9] =	ssyncset.done $0x0  }
0x2b: {  	[sflag:s9] =	ssyncadd.s32 $0xFFFFD880  }
0x2c: {  	_ =	sfence.sel $0x180000  }
0x2d: {  	[bflag:$0x0] =	sbarrier.arrive $0xFFFF  }
0x2e: {  	p0 =	sne.s32 s0, $0x0;
	_ =	strace $0x90000047  }
0x2f: {  	s0 =	sadd.s32 @!p0 $0x100000, s1;
	[bflag:$0x2] =	sbarrier.arrive $0xFFFF  }
0x30: {  	[sflag:s0] =	ssyncadd.tile.s32 @!p0 $0x1;
	_ =	shalt  }
.Lfunc_end2:
_tile_overlayer_lowered:
.L_overlay_start_2:
0x31: {  	(tag) =	ssettag $0x2  }
0x32: {  	s0 =	rddreg [dreg:$0x0];
	s2 =	stileid.u32  }
0x33: {  	s1 =	rddreg [dreg:$0x1];
	p0 =	sne.s32 s2, $0x0  }
0x34: {  	s3 =	rddreg [dreg:$0x2];
	[bflag:$0x3] =	sbarrier.arrive $0xFFFF;
	s2 =	simm.s32 @!p0 $0x1C01  }
0x35: {  	[timem:s3], [sflag:s2] =	dma.local @!p0 [hbm:s0], s1  }
0x36: {  	s0 =	simm.s32 @!p0 $0x1  }
0x37: {  	_ =	swait.ge @!p0 [sflag:s0], s1  }
0x38: {  	s1 =	ssub.s32 @!p0 $0x0, s1;
	[sflag:s0] =	ssyncset.done @!p0 $0x0  }
0x39: {  	[sflag:s0] =	ssyncadd.s32 @!p0 s1  }
0x3a: {  	[bflag:$0x3] =	sbarrier.arrive $0xFFFF  }
0x3b: {  	_ =	shalt  }

</sc_bundles>
